<compile_context>
chip_gen: v7x
topology: tpu7x:2x2x1
jax: 0.10.2.dev20260603
libtpu: 0.0.44.dev20260713+nightly
codegen_flags: <defaults>
</compile_context>

<pallas_src>
import functools

import jax
import jax.numpy as jnp
from jax import lax
from jax.experimental import pallas as pl
from jax.experimental.pallas import tpu as pltpu, tpu_sc as plsc

_INFO = plsc.get_sparse_core_info()
_NW = _INFO.num_cores * _INFO.num_subcores

_N = 1048576
_NB = _N // 128
_BPW = _NB // _NW
_CB = 32
_CHUNKS = _BPW // _CB
_S = _CB * 512


def _body(in_hbm, out_hbm, in_v, out_v):
    wid = lax.axis_index("s") * _INFO.num_cores + lax.axis_index("c")
    zeros = jnp.zeros((16,), jnp.float32)
    base_blk = wid * _BPW

    def chunk(ch, carry):
        off = (base_blk + ch * _CB) * 512
        pltpu.sync_copy(in_hbm.at[pl.ds(off, _S)], in_v)

        def blk(b, c2):
            ib = b * 512
            for j in range(8):
                s = ib + j * 16
                d0 = in_v[pl.ds(s, 16)]
                d1 = in_v[pl.ds(s + 128, 16)]
                d2 = in_v[pl.ds(s + 256, 16)]
                out_v[pl.ds(s, 16)] = zeros
                out_v[pl.ds(s + 128, 16)] = -d2
                out_v[pl.ds(s + 256, 16)] = d1
                out_v[pl.ds(_S + s, 16)] = d2
                out_v[pl.ds(_S + s + 128, 16)] = zeros
                out_v[pl.ds(_S + s + 256, 16)] = -d0
                out_v[pl.ds(2 * _S + s, 16)] = -d1
                out_v[pl.ds(2 * _S + s + 128, 16)] = d0
                out_v[pl.ds(2 * _S + s + 256, 16)] = zeros
            return c2

        lax.fori_loop(0, _CB, blk, 0)
        for r in range(3):
            pltpu.sync_copy(
                out_v.at[pl.ds(r * _S, _S)],
                out_hbm.at[pl.ds(r * 4 * _N + off, _S)],
            )
        return carry

    lax.fori_loop(0, _CHUNKS, chunk, 0)


_skew = functools.partial(
    pl.kernel,
    out_type=jax.ShapeDtypeStruct((12 * _N,), jnp.float32),
    mesh=plsc.VectorSubcoreMesh(core_axis_name="c", subcore_axis_name="s"),
    scratch_types=[
        pltpu.VMEM((_S,), jnp.float32),
        pltpu.VMEM((3 * _S,), jnp.float32),
    ],
    compiler_params=pltpu.CompilerParams(needs_layout_passes=False),
)(_body)


def kernel(dw):
    n = dw.shape[0]
    nb = n // 128
    dw4 = jnp.pad(dw, ((0, 0), (0, 1)))
    x = dw4.T.reshape(4, nb, 128).transpose(1, 0, 2).reshape(4 * n)
    o = _skew(x)
    o4 = o.reshape(3, nb, 4, 128).transpose(1, 3, 0, 2)
    return o4[:, :, :, :3].reshape(n, 3, 3)

# --- scband reference (transcript-rebuilt; emitter-appended) ---
"""Pipeline reference for scband-get-skew-30502857736911 (READ-ONLY COPY).

The authoritative reference and input builder live on the scoring server;
editing this copy changes nothing except your own understanding.
"""

import jax, jax.numpy as jnp
import numpy as np


def setup_inputs(seed: int = 0) -> dict:
    key = jax.random.key(seed)
    dw = jax.random.normal(key, (1048576, 3), dtype=jnp.float32)
    return {"dw": dw}


def reference(dw) -> jnp.ndarray:
    bn = dw.shape[0]
    skew = jnp.zeros((bn, 3, 3), dtype=jnp.float32)
    skew = skew.at[:, 0, 1].set(-dw[:, 2])
    skew = skew.at[:, 0, 2].set(dw[:, 1])
    skew = skew.at[:, 1, 2].set(-dw[:, 0])
    skew = skew.at[:, 1, 0].set(dw[:, 2])
    skew = skew.at[:, 2, 0].set(-dw[:, 1])
    skew = skew.at[:, 2, 1].set(dw[:, 0])
    return skew

if __name__ == "__main__":
    import jax
    _d = setup_inputs()
    print(jax.jit(kernel)(*tuple(_d.values())))

</pallas_src>

<mosaic_0001>
#map = affine_map<(d0, d1) -> (0)>
module attributes {stable_mosaic.version = 14 : i64} {
  func.func @_body(%arg0: i32, %arg1: i32, %arg2: memref<4194304xf32, #tpu.memory_space<hbm>>, %arg3: memref<12582912xf32, #tpu.memory_space<hbm>>, %arg4: memref<16384xf32, #tpu.memory_space<vmem>>, %arg5: memref<49152xf32, #tpu.memory_space<vmem>>) attributes {dimension_semantics = [#tpu.dimension_semantics<core_parallel>, #tpu.dimension_semantics<subcore_parallel>], iteration_bounds = array<i64: 2, 16>, scalar_prefetch = 0 : i64, scratch_operands = 2 : i64, tpu.core_type = #tpu.core_type<sc_vector_subcore>, window_params = [{transform_indices = #map}, {transform_indices = #map}]} {
    %mul3A = arith.constant 2 : i32
    %mul3A_0 = arith.muli %arg1, %mul3A : i32
    %add3A = arith.addi %mul3A_0, %arg0 : i32
    %broadcast_in_dim3A = arith.constant 0.000000e+00 : f32
    %broadcast_in_dim3A_1 = vector.broadcast %broadcast_in_dim3A : f32 to vector<16xf32>
    %mul3A_2 = arith.constant 256 : i32
    %mul3A_3 = arith.muli %add3A, %mul3A_2 : i32
    %scan3A = arith.constant 0 : i32
    %scan3A_4 = arith.constant 0 : i32
    %scan3A_5 = arith.constant 8 : i32
    %scan3A_6 = arith.addi %scan3A_4, %scan3A_5 : i32
    %scan3A_7 = arith.constant 1 : i32
    scf.for %scan3A_9 = %scan3A_4 to %scan3A_6 step %scan3A_7  : i32 {
      %mul3A_10 = arith.constant 32 : i32
      %mul3A_11 = arith.muli %scan3A_9, %mul3A_10 : i32
      %add3A_12 = arith.addi %mul3A_3, %mul3A_11 : i32
      %mul3A_13 = arith.constant 512 : i32
      %mul3A_14 = arith.muli %add3A_12, %mul3A_13 : i32
      "tpu.region"() ({
        %run_scoped3A = tpu.sem_alloc : memref<!tpu.dma_semaphore, #tpu.memory_space<semaphore_mem>>
        %dma_start3A = tpu.memref_slice %arg2[%mul3A_14] : memref<4194304xf32, #tpu.memory_space<hbm>> -> memref<16384xf32, #tpu.memory_space<hbm>>
        %dma_start3A_27 = tpu.memref_slice %arg2[%mul3A_14] : memref<4194304xf32, #tpu.memory_space<hbm>> -> memref<16384xf32, #tpu.memory_space<hbm>>
        tpu.enqueue_dma source(%dma_start3A_27 : memref<16384xf32, #tpu.memory_space<hbm>>) target(%arg4 : memref<16384xf32, #tpu.memory_space<vmem>>) target_semaphore(%run_scoped3A : memref<!tpu.dma_semaphore, #tpu.memory_space<semaphore_mem>>)
        %dma_wait3A = tpu.memref_slice %arg2[%mul3A_14] : memref<4194304xf32, #tpu.memory_space<hbm>> -> memref<16384xf32, #tpu.memory_space<hbm>>
        %dma_wait3A_28 = tpu.memref_slice %arg2[%mul3A_14] : memref<4194304xf32, #tpu.memory_space<hbm>> -> memref<16384xf32, #tpu.memory_space<hbm>>
        tpu.wait_dma2 semaphore(%run_scoped3A : memref<!tpu.dma_semaphore, #tpu.memory_space<semaphore_mem>>) src(%dma_wait3A_28 : memref<16384xf32, #tpu.memory_space<hbm>>) dst(%arg4 : memref<16384xf32, #tpu.memory_space<vmem>>)
        tpu.yield
      }) : () -> ()
      %scan3A_15 = arith.constant 0 : i32
      %scan3A_16 = arith.constant 0 : i32
      %scan3A_17 = arith.constant 32 : i32
      %scan3A_18 = arith.addi %scan3A_16, %scan3A_17 : i32
      %scan3A_19 = arith.constant 1 : i32
      scf.for %scan3A_27 = %scan3A_16 to %scan3A_18 step %scan3A_19  : i32 {
        %mul3A_28 = arith.constant 512 : i32
        %mul3A_29 = arith.muli %scan3A_27, %mul3A_28 : i32
        %add3A_30 = arith.constant 0 : i32
        %add3A_31 = arith.addi %mul3A_29, %add3A_30 : i32
        %get3A = arith.index_cast %add3A_31 : i32 to index
        %get3A_32 = tpu.vector_load %arg4[%get3A] {strides = array<i32>} : memref<16384xf32, #tpu.memory_space<vmem>>, vector<16xf32>,
        %add3A_33 = arith.constant 128 : i32
        %add3A_34 = arith.addi %add3A_31, %add3A_33 : i32
        %get3A_35 = arith.index_cast %add3A_34 : i32 to index
        %get3A_36 = tpu.vector_load %arg4[%get3A_35] {strides = array<i32>} : memref<16384xf32, #tpu.memory_space<vmem>>, vector<16xf32>,
        %add3A_37 = arith.constant 256 : i32
        %add3A_38 = arith.addi %add3A_31, %add3A_37 : i32
        %get3A_39 = arith.index_cast %add3A_38 : i32 to index
        %get3A_40 = tpu.vector_load %arg4[%get3A_39] {strides = array<i32>} : memref<16384xf32, #tpu.memory_space<vmem>>, vector<16xf32>,
        %swap3A = arith.index_cast %add3A_31 : i32 to index
        %swap3A_41 = tpu.vector_load %arg5[%swap3A] {strides = array<i32>} : memref<49152xf32, #tpu.memory_space<vmem>>, vector<16xf32>,
        tpu.vector_store %arg5[%swap3A], %broadcast_in_dim3A_1 {strides = array<i32>} : memref<49152xf32, #tpu.memory_space<vmem>>, vector<16xf32>,
        %neg3A = arith.constant 0.000000e+00 : f32
        %neg3A_42 = vector.broadcast %neg3A : f32 to vector<16xf32>
        %neg3A_43 = arith.subf %neg3A_42, %get3A_40 : vector<16xf32>
        %add3A_44 = arith.constant 128 : i32
        %add3A_45 = arith.addi %add3A_31, %add3A_44 : i32
        %swap3A_46 = arith.index_cast %add3A_45 : i32 to index
        %swap3A_47 = tpu.vector_load %arg5[%swap3A_46] {strides = array<i32>} : memref<49152xf32, #tpu.memory_space<vmem>>, vector<16xf32>,
        tpu.vector_store %arg5[%swap3A_46], %neg3A_43 {strides = array<i32>} : memref<49152xf32, #tpu.memory_space<vmem>>, vector<16xf32>,
        %add3A_48 = arith.constant 256 : i32
        %add3A_49 = arith.addi %add3A_31, %add3A_48 : i32
        %swap3A_50 = arith.index_cast %add3A_49 : i32 to index
        %swap3A_51 = tpu.vector_load %arg5[%swap3A_50] {strides = array<i32>} : memref<49152xf32, #tpu.memory_space<vmem>>, vector<16xf32>,
        tpu.vector_store %arg5[%swap3A_50], %get3A_36 {strides = array<i32>} : memref<49152xf32, #tpu.memory_space<vmem>>, vector<16xf32>,
        %add3A_52 = arith.constant 16384 : i32
        %add3A_53 = arith.addi %add3A_52, %add3A_31 : i32
        %swap3A_54 = arith.index_cast %add3A_53 : i32 to index
        %swap3A_55 = tpu.vector_load %arg5[%swap3A_54] {strides = array<i32>} : memref<49152xf32, #tpu.memory_space<vmem>>, vector<16xf32>,
        tpu.vector_store %arg5[%swap3A_54], %get3A_40 {strides = array<i32>} : memref<49152xf32, #tpu.memory_space<vmem>>, vector<16xf32>,
        %add3A_56 = arith.constant 16384 : i32
        %add3A_57 = arith.addi %add3A_56, %add3A_31 : i32
        %add3A_58 = arith.constant 128 : i32
        %add3A_59 = arith.addi %add3A_57, %add3A_58 : i32
        %swap3A_60 = arith.index_cast %add3A_59 : i32 to index
        %swap3A_61 = tpu.vector_load %arg5[%swap3A_60] {strides = array<i32>} : memref<49152xf32, #tpu.memory_space<vmem>>, vector<16xf32>,
        tpu.vector_store %arg5[%swap3A_60], %broadcast_in_dim3A_1 {strides = array<i32>} : memref<49152xf32, #tpu.memory_space<vmem>>, vector<16xf32>,
        %neg3A_62 = arith.constant 0.000000e+00 : f32
        %neg3A_63 = vector.broadcast %neg3A_62 : f32 to vector<16xf32>
        %neg3A_64 = arith.subf %neg3A_63, %get3A_32 : vector<16xf32>
        %add3A_65 = arith.constant 16384 : i32
        %add3A_66 = arith.addi %add3A_65, %add3A_31 : i32
        %add3A_67 = arith.constant 256 : i32
        %add3A_68 = arith.addi %add3A_66, %add3A_67 : i32
        %swap3A_69 = arith.index_cast %add3A_68 : i32 to index
        %swap3A_70 = tpu.vector_load %arg5[%swap3A_69] {strides = array<i32>} : memref<49152xf32, #tpu.memory_space<vmem>>, vector<16xf32>,
        tpu.vector_store %arg5[%swap3A_69], %neg3A_64 {strides = array<i32>} : memref<49152xf32, #tpu.memory_space<vmem>>, vector<16xf32>,
        %neg3A_71 = arith.constant 0.000000e+00 : f32
        %neg3A_72 = vector.broadcast %neg3A_71 : f32 to vector<16xf32>
        %neg3A_73 = arith.subf %neg3A_72, %get3A_36 : vector<16xf32>
        %add3A_74 = arith.constant 32768 : i32
        %add3A_75 = arith.addi %add3A_74, %add3A_31 : i32
        %swap3A_76 = arith.index_cast %add3A_75 : i32 to index
        %swap3A_77 = tpu.vector_load %arg5[%swap3A_76] {strides = array<i32>} : memref<49152xf32, #tpu.memory_space<vmem>>, vector<16xf32>,
        tpu.vector_store %arg5[%swap3A_76], %neg3A_73 {strides = array<i32>} : memref<49152xf32, #tpu.memory_space<vmem>>, vector<16xf32>,
        %add3A_78 = arith.constant 32768 : i32
        %add3A_79 = arith.addi %add3A_78, %add3A_31 : i32
        %add3A_80 = arith.constant 128 : i32
        %add3A_81 = arith.addi %add3A_79, %add3A_80 : i32
        %swap3A_82 = arith.index_cast %add3A_81 : i32 to index
        %swap3A_83 = tpu.vector_load %arg5[%swap3A_82] {strides = array<i32>} : memref<49152xf32, #tpu.memory_space<vmem>>, vector<16xf32>,
        tpu.vector_store %arg5[%swap3A_82], %get3A_32 {strides = array<i32>} : memref<49152xf32, #tpu.memory_space<vmem>>, vector<16xf32>,
        %add3A_84 = arith.constant 32768 : i32
        %add3A_85 = arith.addi %add3A_84, %add3A_31 : i32
        %add3A_86 = arith.constant 256 : i32
        %add3A_87 = arith.addi %add3A_85, %add3A_86 : i32
        %swap3A_88 = arith.index_cast %add3A_87 : i32 to index
        %swap3A_89 = tpu.vector_load %arg5[%swap3A_88] {strides = array<i32>} : memref<49152xf32, #tpu.memory_space<vmem>>, vector<16xf32>,
        tpu.vector_store %arg5[%swap3A_88], %broadcast_in_dim3A_1 {strides = array<i32>} : memref<49152xf32, #tpu.memory_space<vmem>>, vector<16xf32>,
        %add3A_90 = arith.constant 16 : i32
        %add3A_91 = arith.addi %mul3A_29, %add3A_90 : i32
        %get3A_92 = arith.index_cast %add3A_91 : i32 to index
        %get3A_93 = tpu.vector_load %arg4[%get3A_92] {strides = array<i32>} : memref<16384xf32, #tpu.memory_space<vmem>>, vector<16xf32>,
        %add3A_94 = arith.constant 128 : i32
        %add3A_95 = arith.addi %add3A_91, %add3A_94 : i32
        %get3A_96 = arith.index_cast %add3A_95 : i32 to index
        %get3A_97 = tpu.vector_load %arg4[%get3A_96] {strides = array<i32>} : memref<16384xf32, #tpu.memory_space<vmem>>, vector<16xf32>,
        %add3A_98 = arith.constant 256 : i32
        %add3A_99 = arith.addi %add3A_91, %add3A_98 : i32
        %get3A_100 = arith.index_cast %add3A_99 : i32 to index
        %get3A_101 = tpu.vector_load %arg4[%get3A_100] {strides = array<i32>} : memref<16384xf32, #tpu.memory_space<vmem>>, vector<16xf32>,
        %swap3A_102 = arith.index_cast %add3A_91 : i32 to index
        %swap3A_103 = tpu.vector_load %arg5[%swap3A_102] {strides = array<i32>} : memref<49152xf32, #tpu.memory_space<vmem>>, vector<16xf32>,
        tpu.vector_store %arg5[%swap3A_102], %broadcast_in_dim3A_1 {strides = array<i32>} : memref<49152xf32, #tpu.memory_space<vmem>>, vector<16xf32>,
        %neg3A_104 = arith.constant 0.000000e+00 : f32
        %neg3A_105 = vector.broadcast %neg3A_104 : f32 to vector<16xf32>
        %neg3A_106 = arith.subf %neg3A_105, %get3A_101 : vector<16xf32>
        %add3A_107 = arith.constant 128 : i32
        %add3A_108 = arith.addi %add3A_91, %add3A_107 : i32
        %swap3A_109 = arith.index_cast %add3A_108 : i32 to index
        %swap3A_110 = tpu.vector_load %arg5[%swap3A_109] {strides = array<i32>} : memref<49152xf32, #tpu.memory_space<vmem>>, vector<16xf32>,
        tpu.vector_store %arg5[%swap3A_109], %neg3A_106 {strides = array<i32>} : memref<49152xf32, #tpu.memory_space<vmem>>, vector<16xf32>,
        %add3A_111 = arith.constant 256 : i32
        %add3A_112 = arith.addi %add3A_91, %add3A_111 : i32
        %swap3A_113 = arith.index_cast %add3A_112 : i32 to index
        %swap3A_114 = tpu.vector_load %arg5[%swap3A_113] {strides = array<i32>} : memref<49152xf32, #tpu.memory_space<vmem>>, vector<16xf32>,
        tpu.vector_store %arg5[%swap3A_113], %get3A_97 {strides = array<i32>} : memref<49152xf32, #tpu.memory_space<vmem>>, vector<16xf32>,
        %add3A_115 = arith.constant 16384 : i32
        %add3A_116 = arith.addi %add3A_115, %add3A_91 : i32
        %swap3A_117 = arith.index_cast %add3A_116 : i32 to index
        %swap3A_118 = tpu.vector_load %arg5[%swap3A_117] {strides = array<i32>} : memref<49152xf32, #tpu.memory_space<vmem>>, vector<16xf32>,
        tpu.vector_store %arg5[%swap3A_117], %get3A_101 {strides = array<i32>} : memref<49152xf32, #tpu.memory_space<vmem>>, vector<16xf32>,
        %add3A_119 = arith.constant 16384 : i32
        %add3A_120 = arith.addi %add3A_119, %add3A_91 : i32
        %add3A_121 = arith.constant 128 : i32
        %add3A_122 = arith.addi %add3A_120, %add3A_121 : i32
        %swap3A_123 = arith.index_cast %add3A_122 : i32 to index
        %swap3A_124 = tpu.vector_load %arg5[%swap3A_123] {strides = array<i32>} : memref<49152xf32, #tpu.memory_space<vmem>>, vector<16xf32>,
        tpu.vector_store %arg5[%swap3A_123], %broadcast_in_dim3A_1 {strides = array<i32>} : memref<49152xf32, #tpu.memory_space<vmem>>, vector<16xf32>,
        %neg3A_125 = arith.constant 0.000000e+00 : f32
        %neg3A_126 = vector.broadcast %neg3A_125 : f32 to vector<16xf32>
        %neg3A_127 = arith.subf %neg3A_126, %get3A_93 : vector<16xf32>
        %add3A_128 = arith.constant 16384 : i32
        %add3A_129 = arith.addi %add3A_128, %add3A_91 : i32
        %add3A_130 = arith.constant 256 : i32
        %add3A_131 = arith.addi %add3A_129, %add3A_130 : i32
        %swap3A_132 = arith.index_cast %add3A_131 : i32 to index
        %swap3A_133 = tpu.vector_load %arg5[%swap3A_132] {strides = array<i32>} : memref<49152xf32, #tpu.memory_space<vmem>>, vector<16xf32>,
        tpu.vector_store %arg5[%swap3A_132], %neg3A_127 {strides = array<i32>} : memref<49152xf32, #tpu.memory_space<vmem>>, vector<16xf32>,
        %neg3A_134 = arith.constant 0.000000e+00 : f32
        %neg3A_135 = vector.broadcast %neg3A_134 : f32 to vector<16xf32>
        %neg3A_136 = arith.subf %neg3A_135, %get3A_97 : vector<16xf32>
        %add3A_137 = arith.constant 32768 : i32
        %add3A_138 = arith.addi %add3A_137, %add3A_91 : i32
        %swap3A_139 = arith.index_cast %add3A_138 : i32 to index
        %swap3A_140 = tpu.vector_load %arg5[%swap3A_139] {strides = array<i32>} : memref<49152xf32, #tpu.memory_space<vmem>>, vector<16xf32>,
        tpu.vector_store %arg5[%swap3A_139], %neg3A_136 {strides = array<i32>} : memref<49152xf32, #tpu.memory_space<vmem>>, vector<16xf32>,
        %add3A_141 = arith.constant 32768 : i32
        %add3A_142 = arith.addi %add3A_141, %add3A_91 : i32
        %add3A_143 = arith.constant 128 : i32
        %add3A_144 = arith.addi %add3A_142, %add3A_143 : i32
        %swap3A_145 = arith.index_cast %add3A_144 : i32 to index
        %swap3A_146 = tpu.vector_load %arg5[%swap3A_145] {strides = array<i32>} : memref<49152xf32, #tpu.memory_space<vmem>>, vector<16xf32>,
        tpu.vector_store %arg5[%swap3A_145], %get3A_93 {strides = array<i32>} : memref<49152xf32, #tpu.memory_space<vmem>>, vector<16xf32>,
        %add3A_147 = arith.constant 32768 : i32
        %add3A_148 = arith.addi %add3A_147, %add3A_91 : i32
        %add3A_149 = arith.constant 256 : i32
        %add3A_150 = arith.addi %add3A_148, %add3A_149 : i32
        %swap3A_151 = arith.index_cast %add3A_150 : i32 to index
        %swap3A_152 = tpu.vector_load %arg5[%swap3A_151] {strides = array<i32>} : memref<49152xf32, #tpu.memory_space<vmem>>, vector<16xf32>,
        tpu.vector_store %arg5[%swap3A_151], %broadcast_in_dim3A_1 {strides = array<i32>} : memref<49152xf32, #tpu.memory_space<vmem>>, vector<16xf32>,
        %add3A_153 = arith.constant 32 : i32
        %add3A_154 = arith.addi %mul3A_29, %add3A_153 : i32
        %get3A_155 = arith.index_cast %add3A_154 : i32 to index
        %get3A_156 = tpu.vector_load %arg4[%get3A_155] {strides = array<i32>} : memref<16384xf32, #tpu.memory_space<vmem>>, vector<16xf32>,
        %add3A_157 = arith.constant 128 : i32
        %add3A_158 = arith.addi %add3A_154, %add3A_157 : i32
        %get3A_159 = arith.index_cast %add3A_158 : i32 to index
        %get3A_160 = tpu.vector_load %arg4[%get3A_159] {strides = array<i32>} : memref<16384xf32, #tpu.memory_space<vmem>>, vector<16xf32>,
        %add3A_161 = arith.constant 256 : i32
        %add3A_162 = arith.addi %add3A_154, %add3A_161 : i32
        %get3A_163 = arith.index_cast %add3A_162 : i32 to index
        %get3A_164 = tpu.vector_load %arg4[%get3A_163] {strides = array<i32>} : memref<16384xf32, #tpu.memory_space<vmem>>, vector<16xf32>,
        %swap3A_165 = arith.index_cast %add3A_154 : i32 to index
        %swap3A_166 = tpu.vector_load %arg5[%swap3A_165] {strides = array<i32>} : memref<49152xf32, #tpu.memory_space<vmem>>, vector<16xf32>,
        tpu.vector_store %arg5[%swap3A_165], %broadcast_in_dim3A_1 {strides = array<i32>} : memref<49152xf32, #tpu.memory_space<vmem>>, vector<16xf32>,
        %neg3A_167 = arith.constant 0.000000e+00 : f32
        %neg3A_168 = vector.broadcast %neg3A_167 : f32 to vector<16xf32>
        %neg3A_169 = arith.subf %neg3A_168, %get3A_164 : vector<16xf32>
        %add3A_170 = arith.constant 128 : i32
        %add3A_171 = arith.addi %add3A_154, %add3A_170 : i32
        %swap3A_172 = arith.index_cast %add3A_171 : i32 to index
        %swap3A_173 = tpu.vector_load %arg5[%swap3A_172] {strides = array<i32>} : memref<49152xf32, #tpu.memory_space<vmem>>, vector<16xf32>,
        tpu.vector_store %arg5[%swap3A_172], %neg3A_169 {strides = array<i32>} : memref<49152xf32, #tpu.memory_space<vmem>>, vector<16xf32>,
        %add3A_174 = arith.constant 256 : i32
        %add3A_175 = arith.addi %add3A_154, %add3A_174 : i32
        %swap3A_176 = arith.index_cast %add3A_175 : i32 to index
        %swap3A_177 = tpu.vector_load %arg5[%swap3A_176] {strides = array<i32>} : memref<49152xf32, #tpu.memory_space<vmem>>, vector<16xf32>,
        tpu.vector_store %arg5[%swap3A_176], %get3A_160 {strides = array<i32>} : memref<49152xf32, #tpu.memory_space<vmem>>, vector<16xf32>,
        %add3A_178 = arith.constant 16384 : i32
        %add3A_179 = arith.addi %add3A_178, %add3A_154 : i32
        %swap3A_180 = arith.index_cast %add3A_179 : i32 to index
        %swap3A_181 = tpu.vector_load %arg5[%swap3A_180] {strides = array<i32>} : memref<49152xf32, #tpu.memory_space<vmem>>, vector<16xf32>,
        tpu.vector_store %arg5[%swap3A_180], %get3A_164 {strides = array<i32>} : memref<49152xf32, #tpu.memory_space<vmem>>, vector<16xf32>,
        %add3A_182 = arith.constant 16384 : i32
        %add3A_183 = arith.addi %add3A_182, %add3A_154 : i32
        %add3A_184 = arith.constant 128 : i32
        %add3A_185 = arith.addi %add3A_183, %add3A_184 : i32
        %swap3A_186 = arith.index_cast %add3A_185 : i32 to index
        %swap3A_187 = tpu.vector_load %arg5[%swap3A_186] {strides = array<i32>} : memref<49152xf32, #tpu.memory_space<vmem>>, vector<16xf32>,
        tpu.vector_store %arg5[%swap3A_186], %broadcast_in_dim3A_1 {strides = array<i32>} : memref<49152xf32, #tpu.memory_space<vmem>>, vector<16xf32>,
        %neg3A_188 = arith.constant 0.000000e+00 : f32
        %neg3A_189 = vector.broadcast %neg3A_188 : f32 to vector<16xf32>
        %neg3A_190 = arith.subf %neg3A_189, %get3A_156 : vector<16xf32>
        %add3A_191 = arith.constant 16384 : i32
        %add3A_192 = arith.addi %add3A_191, %add3A_154 : i32
        %add3A_193 = arith.constant 256 : i32
        %add3A_194 = arith.addi %add3A_192, %add3A_193 : i32
        %swap3A_195 = arith.index_cast %add3A_194 : i32 to index
        %swap3A_196 = tpu.vector_load %arg5[%swap3A_195] {strides = array<i32>} : memref<49152xf32, #tpu.memory_space<vmem>>, vector<16xf32>,
        tpu.vector_store %arg5[%swap3A_195], %neg3A_190 {strides = array<i32>} : memref<49152xf32, #tpu.memory_space<vmem>>, vector<16xf32>,
        %neg3A_197 = arith.constant 0.000000e+00 : f32
        %neg3A_198 = vector.broadcast %neg3A_197 : f32 to vector<16xf32>
        %neg3A_199 = arith.subf %neg3A_198, %get3A_160 : vector<16xf32>
        %add3A_200 = arith.constant 32768 : i32
        %add3A_201 = arith.addi %add3A_200, %add3A_154 : i32
        %swap3A_202 = arith.index_cast %add3A_201 : i32 to index
        %swap3A_203 = tpu.vector_load %arg5[%swap3A_202] {strides = array<i32>} : memref<49152xf32, #tpu.memory_space<vmem>>, vector<16xf32>,
        tpu.vector_store %arg5[%swap3A_202], %neg3A_199 {strides = array<i32>} : memref<49152xf32, #tpu.memory_space<vmem>>, vector<16xf32>,
        %add3A_204 = arith.constant 32768 : i32
        %add3A_205 = arith.addi %add3A_204, %add3A_154 : i32
        %add3A_206 = arith.constant 128 : i32
        %add3A_207 = arith.addi %add3A_205, %add3A_206 : i32
        %swap3A_208 = arith.index_cast %add3A_207 : i32 to index
        %swap3A_209 = tpu.vector_load %arg5[%swap3A_208] {strides = array<i32>} : memref<49152xf32, #tpu.memory_space<vmem>>, vector<16xf32>,
        tpu.vector_store %arg5[%swap3A_208], %get3A_156 {strides = array<i32>} : memref<49152xf32, #tpu.memory_space<vmem>>, vector<16xf32>,
        %add3A_210 = arith.constant 32768 : i32
        %add3A_211 = arith.addi %add3A_210, %add3A_154 : i32
        %add3A_212 = arith.constant 256 : i32
        %add3A_213 = arith.addi %add3A_211, %add3A_212 : i32
        %swap3A_214 = arith.index_cast %add3A_213 : i32 to index
        %swap3A_215 = tpu.vector_load %arg5[%swap3A_214] {strides = array<i32>} : memref<49152xf32, #tpu.memory_space<vmem>>, vector<16xf32>,
        tpu.vector_store %arg5[%swap3A_214], %broadcast_in_dim3A_1 {strides = array<i32>} : memref<49152xf32, #tpu.memory_space<vmem>>, vector<16xf32>,
        %add3A_216 = arith.constant 48 : i32
        %add3A_217 = arith.addi %mul3A_29, %add3A_216 : i32
        %get3A_218 = arith.index_cast %add3A_217 : i32 to index
        %get3A_219 = tpu.vector_load %arg4[%get3A_218] {strides = array<i32>} : memref<16384xf32, #tpu.memory_space<vmem>>, vector<16xf32>,
        %add3A_220 = arith.constant 128 : i32
        %add3A_221 = arith.addi %add3A_217, %add3A_220 : i32
        %get3A_222 = arith.index_cast %add3A_221 : i32 to index
        %get3A_223 = tpu.vector_load %arg4[%get3A_222] {strides = array<i32>} : memref<16384xf32, #tpu.memory_space<vmem>>, vector<16xf32>,
        %add3A_224 = arith.constant 256 : i32
        %add3A_225 = arith.addi %add3A_217, %add3A_224 : i32
        %get3A_226 = arith.index_cast %add3A_225 : i32 to index
        %get3A_227 = tpu.vector_load %arg4[%get3A_226] {strides = array<i32>} : memref<16384xf32, #tpu.memory_space<vmem>>, vector<16xf32>,
        %swap3A_228 = arith.index_cast %add3A_217 : i32 to index
        %swap3A_229 = tpu.vector_load %arg5[%swap3A_228] {strides = array<i32>} : memref<49152xf32, #tpu.memory_space<vmem>>, vector<16xf32>,
        tpu.vector_store %arg5[%swap3A_228], %broadcast_in_dim3A_1 {strides = array<i32>} : memref<49152xf32, #tpu.memory_space<vmem>>, vector<16xf32>,
        %neg3A_230 = arith.constant 0.000000e+00 : f32
        %neg3A_231 = vector.broadcast %neg3A_230 : f32 to vector<16xf32>
        %neg3A_232 = arith.subf %neg3A_231, %get3A_227 : vector<16xf32>
        %add3A_233 = arith.constant 128 : i32
        %add3A_234 = arith.addi %add3A_217, %add3A_233 : i32
        %swap3A_235 = arith.index_cast %add3A_234 : i32 to index
        %swap3A_236 = tpu.vector_load %arg5[%swap3A_235] {strides = array<i32>} : memref<49152xf32, #tpu.memory_space<vmem>>, vector<16xf32>,
        tpu.vector_store %arg5[%swap3A_235], %neg3A_232 {strides = array<i32>} : memref<49152xf32, #tpu.memory_space<vmem>>, vector<16xf32>,
        %add3A_237 = arith.constant 256 : i32
        %add3A_238 = arith.addi %add3A_217, %add3A_237 : i32
        %swap3A_239 = arith.index_cast %add3A_238 : i32 to index
        %swap3A_240 = tpu.vector_load %arg5[%swap3A_239] {strides = array<i32>} : memref<49152xf32, #tpu.memory_space<vmem>>, vector<16xf32>,
        tpu.vector_store %arg5[%swap3A_239], %get3A_223 {strides = array<i32>} : memref<49152xf32, #tpu.memory_space<vmem>>, vector<16xf32>,
        %add3A_241 = arith.constant 16384 : i32
        %add3A_242 = arith.addi %add3A_241, %add3A_217 : i32
        %swap3A_243 = arith.index_cast %add3A_242 : i32 to index
        %swap3A_244 = tpu.vector_load %arg5[%swap3A_243] {strides = array<i32>} : memref<49152xf32, #tpu.memory_space<vmem>>, vector<16xf32>,
        tpu.vector_store %arg5[%swap3A_243], %get3A_227 {strides = array<i32>} : memref<49152xf32, #tpu.memory_space<vmem>>, vector<16xf32>,
        %add3A_245 = arith.constant 16384 : i32
        %add3A_246 = arith.addi %add3A_245, %add3A_217 : i32
        %add3A_247 = arith.constant 128 : i32
        %add3A_248 = arith.addi %add3A_246, %add3A_247 : i32
        %swap3A_249 = arith.index_cast %add3A_248 : i32 to index
        %swap3A_250 = tpu.vector_load %arg5[%swap3A_249] {strides = array<i32>} : memref<49152xf32, #tpu.memory_space<vmem>>, vector<16xf32>,
        tpu.vector_store %arg5[%swap3A_249], %broadcast_in_dim3A_1 {strides = array<i32>} : memref<49152xf32, #tpu.memory_space<vmem>>, vector<16xf32>,
        %neg3A_251 = arith.constant 0.000000e+00 : f32
        %neg3A_252 = vector.broadcast %neg3A_251 : f32 to vector<16xf32>
        %neg3A_253 = arith.subf %neg3A_252, %get3A_219 : vector<16xf32>
        %add3A_254 = arith.constant 16384 : i32
        %add3A_255 = arith.addi %add3A_254, %add3A_217 : i32
        %add3A_256 = arith.constant 256 : i32
        %add3A_257 = arith.addi %add3A_255, %add3A_256 : i32
        %swap3A_258 = arith.index_cast %add3A_257 : i32 to index
        %swap3A_259 = tpu.vector_load %arg5[%swap3A_258] {strides = array<i32>} : memref<49152xf32, #tpu.memory_space<vmem>>, vector<16xf32>,
        tpu.vector_store %arg5[%swap3A_258], %neg3A_253 {strides = array<i32>} : memref<49152xf32, #tpu.memory_space<vmem>>, vector<16xf32>,
        %neg3A_260 = arith.constant 0.000000e+00 : f32
        %neg3A_261 = vector.broadcast %neg3A_260 : f32 to vector<16xf32>
        %neg3A_262 = arith.subf %neg3A_261, %get3A_223 : vector<16xf32>
        %add3A_263 = arith.constant 32768 : i32
        %add3A_264 = arith.addi %add3A_263, %add3A_217 : i32
        %swap3A_265 = arith.index_cast %add3A_264 : i32 to index
        %swap3A_266 = tpu.vector_load %arg5[%swap3A_265] {strides = array<i32>} : memref<49152xf32, #tpu.memory_space<vmem>>, vector<16xf32>,
        tpu.vector_store %arg5[%swap3A_265], %neg3A_262 {strides = array<i32>} : memref<49152xf32, #tpu.memory_space<vmem>>, vector<16xf32>,
        %add3A_267 = arith.constant 32768 : i32
        %add3A_268 = arith.addi %add3A_267, %add3A_217 : i32
        %add3A_269 = arith.constant 128 : i32
        %add3A_270 = arith.addi %add3A_268, %add3A_269 : i32
        %swap3A_271 = arith.index_cast %add3A_270 : i32 to index
        %swap3A_272 = tpu.vector_load %arg5[%swap3A_271] {strides = array<i32>} : memref<49152xf32, #tpu.memory_space<vmem>>, vector<16xf32>,
        tpu.vector_store %arg5[%swap3A_271], %get3A_219 {strides = array<i32>} : memref<49152xf32, #tpu.memory_space<vmem>>, vector<16xf32>,
        %add3A_273 = arith.constant 32768 : i32
        %add3A_274 = arith.addi %add3A_273, %add3A_217 : i32
        %add3A_275 = arith.constant 256 : i32
        %add3A_276 = arith.addi %add3A_274, %add3A_275 : i32
        %swap3A_277 = arith.index_cast %add3A_276 : i32 to index
        %swap3A_278 = tpu.vector_load %arg5[%swap3A_277] {strides = array<i32>} : memref<49152xf32, #tpu.memory_space<vmem>>, vector<16xf32>,
        tpu.vector_store %arg5[%swap3A_277], %broadcast_in_dim3A_1 {strides = array<i32>} : memref<49152xf32, #tpu.memory_space<vmem>>, vector<16xf32>,
        %add3A_279 = arith.constant 64 : i32
        %add3A_280 = arith.addi %mul3A_29, %add3A_279 : i32
        %get3A_281 = arith.index_cast %add3A_280 : i32 to index
        %get3A_282 = tpu.vector_load %arg4[%get3A_281] {strides = array<i32>} : memref<16384xf32, #tpu.memory_space<vmem>>, vector<16xf32>,
        %add3A_283 = arith.constant 128 : i32
        %add3A_284 = arith.addi %add3A_280, %add3A_283 : i32
        %get3A_285 = arith.index_cast %add3A_284 : i32 to index
        %get3A_286 = tpu.vector_load %arg4[%get3A_285] {strides = array<i32>} : memref<16384xf32, #tpu.memory_space<vmem>>, vector<16xf32>,
        %add3A_287 = arith.constant 256 : i32
        %add3A_288 = arith.addi %add3A_280, %add3A_287 : i32
        %get3A_289 = arith.index_cast %add3A_288 : i32 to index
        %get3A_290 = tpu.vector_load %arg4[%get3A_289] {strides = array<i32>} : memref<16384xf32, #tpu.memory_space<vmem>>, vector<16xf32>,
        %swap3A_291 = arith.index_cast %add3A_280 : i32 to index
        %swap3A_292 = tpu.vector_load %arg5[%swap3A_291] {strides = array<i32>} : memref<49152xf32, #tpu.memory_space<vmem>>, vector<16xf32>,
        tpu.vector_store %arg5[%swap3A_291], %broadcast_in_dim3A_1 {strides = array<i32>} : memref<49152xf32, #tpu.memory_space<vmem>>, vector<16xf32>,
        %neg3A_293 = arith.constant 0.000000e+00 : f32
        %neg3A_294 = vector.broadcast %neg3A_293 : f32 to vector<16xf32>
        %neg3A_295 = arith.subf %neg3A_294, %get3A_290 : vector<16xf32>
        %add3A_296 = arith.constant 128 : i32
        %add3A_297 = arith.addi %add3A_280, %add3A_296 : i32
        %swap3A_298 = arith.index_cast %add3A_297 : i32 to index
        %swap3A_299 = tpu.vector_load %arg5[%swap3A_298] {strides = array<i32>} : memref<49152xf32, #tpu.memory_space<vmem>>, vector<16xf32>,
        tpu.vector_store %arg5[%swap3A_298], %neg3A_295 {strides = array<i32>} : memref<49152xf32, #tpu.memory_space<vmem>>, vector<16xf32>,
        %add3A_300 = arith.constant 256 : i32
        %add3A_301 = arith.addi %add3A_280, %add3A_300 : i32
        %swap3A_302 = arith.index_cast %add3A_301 : i32 to index
        %swap3A_303 = tpu.vector_load %arg5[%swap3A_302] {strides = array<i32>} : memref<49152xf32, #tpu.memory_space<vmem>>, vector<16xf32>,
        tpu.vector_store %arg5[%swap3A_302], %get3A_286 {strides = array<i32>} : memref<49152xf32, #tpu.memory_space<vmem>>, vector<16xf32>,
        %add3A_304 = arith.constant 16384 : i32
        %add3A_305 = arith.addi %add3A_304, %add3A_280 : i32
        %swap3A_306 = arith.index_cast %add3A_305 : i32 to index
        %swap3A_307 = tpu.vector_load %arg5[%swap3A_306] {strides = array<i32>} : memref<49152xf32, #tpu.memory_space<vmem>>, vector<16xf32>,
        tpu.vector_store %arg5[%swap3A_306], %get3A_290 {strides = array<i32>} : memref<49152xf32, #tpu.memory_space<vmem>>, vector<16xf32>,
        %add3A_308 = arith.constant 16384 : i32
        %add3A_309 = arith.addi %add3A_308, %add3A_280 : i32
        %add3A_310 = arith.constant 128 : i32
        %add3A_311 = arith.addi %add3A_309, %add3A_310 : i32
        %swap3A_312 = arith.index_cast %add3A_311 : i32 to index
        %swap3A_313 = tpu.vector_load %arg5[%swap3A_312] {strides = array<i32>} : memref<49152xf32, #tpu.memory_space<vmem>>, vector<16xf32>,
        tpu.vector_store %arg5[%swap3A_312], %broadcast_in_dim3A_1 {strides = array<i32>} : memref<49152xf32, #tpu.memory_space<vmem>>, vector<16xf32>,
        %neg3A_314 = arith.constant 0.000000e+00 : f32
        %neg3A_315 = vector.broadcast %neg3A_314 : f32 to vector<16xf32>
        %neg3A_316 = arith.subf %neg3A_315, %get3A_282 : vector<16xf32>
        %add3A_317 = arith.constant 16384 : i32
        %add3A_318 = arith.addi %add3A_317, %add3A_280 : i32
        %add3A_319 = arith.constant 256 : i32
        %add3A_320 = arith.addi %add3A_318, %add3A_319 : i32
        %swap3A_321 = arith.index_cast %add3A_320 : i32 to index
        %swap3A_322 = tpu.vector_load %arg5[%swap3A_321] {strides = array<i32>} : memref<49152xf32, #tpu.memory_space<vmem>>, vector<16xf32>,
        tpu.vector_store %arg5[%swap3A_321], %neg3A_316 {strides = array<i32>} : memref<49152xf32, #tpu.memory_space<vmem>>, vector<16xf32>,
        %neg3A_323 = arith.constant 0.000000e+00 : f32
        %neg3A_324 = vector.broadcast %neg3A_323 : f32 to vector<16xf32>
        %neg3A_325 = arith.subf %neg3A_324, %get3A_286 : vector<16xf32>
        %add3A_326 = arith.constant 32768 : i32
        %add3A_327 = arith.addi %add3A_326, %add3A_280 : i32
        %swap3A_328 = arith.index_cast %add3A_327 : i32 to index
        %swap3A_329 = tpu.vector_load %arg5[%swap3A_328] {strides = array<i32>} : memref<49152xf32, #tpu.memory_space<vmem>>, vector<16xf32>,
        tpu.vector_store %arg5[%swap3A_328], %neg3A_325 {strides = array<i32>} : memref<49152xf32, #tpu.memory_space<vmem>>, vector<16xf32>,
        %add3A_330 = arith.constant 32768 : i32
        %add3A_331 = arith.addi %add3A_330, %add3A_280 : i32
        %add3A_332 = arith.constant 128 : i32
        %add3A_333 = arith.addi %add3A_331, %add3A_332 : i32
        %swap3A_334 = arith.index_cast %add3A_333 : i32 to index
        %swap3A_335 = tpu.vector_load %arg5[%swap3A_334] {strides = array<i32>} : memref<49152xf32, #tpu.memory_space<vmem>>, vector<16xf32>,
        tpu.vector_store %arg5[%swap3A_334], %get3A_282 {strides = array<i32>} : memref<49152xf32, #tpu.memory_space<vmem>>, vector<16xf32>,
        %add3A_336 = arith.constant 32768 : i32
        %add3A_337 = arith.addi %add3A_336, %add3A_280 : i32
        %add3A_338 = arith.constant 256 : i32
        %add3A_339 = arith.addi %add3A_337, %add3A_338 : i32
        %swap3A_340 = arith.index_cast %add3A_339 : i32 to index
        %swap3A_341 = tpu.vector_load %arg5[%swap3A_340] {strides = array<i32>} : memref<49152xf32, #tpu.memory_space<vmem>>, vector<16xf32>,
        tpu.vector_store %arg5[%swap3A_340], %broadcast_in_dim3A_1 {strides = array<i32>} : memref<49152xf32, #tpu.memory_space<vmem>>, vector<16xf32>,
        %add3A_342 = arith.constant 80 : i32
        %add3A_343 = arith.addi %mul3A_29, %add3A_342 : i32
        %get3A_344 = arith.index_cast %add3A_343 : i32 to index
        %get3A_345 = tpu.vector_load %arg4[%get3A_344] {strides = array<i32>} : memref<16384xf32, #tpu.memory_space<vmem>>, vector<16xf32>,
        %add3A_346 = arith.constant 128 : i32
        %add3A_347 = arith.addi %add3A_343, %add3A_346 : i32
        %get3A_348 = arith.index_cast %add3A_347 : i32 to index
        %get3A_349 = tpu.vector_load %arg4[%get3A_348] {strides = array<i32>} : memref<16384xf32, #tpu.memory_space<vmem>>, vector<16xf32>,
        %add3A_350 = arith.constant 256 : i32
        %add3A_351 = arith.addi %add3A_343, %add3A_350 : i32
        %get3A_352 = arith.index_cast %add3A_351 : i32 to index
        %get3A_353 = tpu.vector_load %arg4[%get3A_352] {strides = array<i32>} : memref<16384xf32, #tpu.memory_space<vmem>>, vector<16xf32>,
        %swap3A_354 = arith.index_cast %add3A_343 : i32 to index
        %swap3A_355 = tpu.vector_load %arg5[%swap3A_354] {strides = array<i32>} : memref<49152xf32, #tpu.memory_space<vmem>>, vector<16xf32>,
        tpu.vector_store %arg5[%swap3A_354], %broadcast_in_dim3A_1 {strides = array<i32>} : memref<49152xf32, #tpu.memory_space<vmem>>, vector<16xf32>,
        %neg3A_356 = arith.constant 0.000000e+00 : f32
        %neg3A_357 = vector.broadcast %neg3A_356 : f32 to vector<16xf32>
        %neg3A_358 = arith.subf %neg3A_357, %get3A_353 : vector<16xf32>
        %add3A_359 = arith.constant 128 : i32
        %add3A_360 = arith.addi %add3A_343, %add3A_359 : i32
        %swap3A_361 = arith.index_cast %add3A_360 : i32 to index
        %swap3A_362 = tpu.vector_load %arg5[%swap3A_361] {strides = array<i32>} : memref<49152xf32, #tpu.memory_space<vmem>>, vector<16xf32>,
        tpu.vector_store %arg5[%swap3A_361], %neg3A_358 {strides = array<i32>} : memref<49152xf32, #tpu.memory_space<vmem>>, vector<16xf32>,
        %add3A_363 = arith.constant 256 : i32
        %add3A_364 = arith.addi %add3A_343, %add3A_363 : i32
        %swap3A_365 = arith.index_cast %add3A_364 : i32 to index
        %swap3A_366 = tpu.vector_load %arg5[%swap3A_365] {strides = array<i32>} : memref<49152xf32, #tpu.memory_space<vmem>>, vector<16xf32>,
        tpu.vector_store %arg5[%swap3A_365], %get3A_349 {strides = array<i32>} : memref<49152xf32, #tpu.memory_space<vmem>>, vector<16xf32>,
        %add3A_367 = arith.constant 16384 : i32
        %add3A_368 = arith.addi %add3A_367, %add3A_343 : i32
        %swap3A_369 = arith.index_cast %add3A_368 : i32 to index
        %swap3A_370 = tpu.vector_load %arg5[%swap3A_369] {strides = array<i32>} : memref<49152xf32, #tpu.memory_space<vmem>>, vector<16xf32>,
        tpu.vector_store %arg5[%swap3A_369], %get3A_353 {strides = array<i32>} : memref<49152xf32, #tpu.memory_space<vmem>>, vector<16xf32>,
        %add3A_371 = arith.constant 16384 : i32
        %add3A_372 = arith.addi %add3A_371, %add3A_343 : i32
        %add3A_373 = arith.constant 128 : i32
        %add3A_374 = arith.addi %add3A_372, %add3A_373 : i32
        %swap3A_375 = arith.index_cast %add3A_374 : i32 to index
        %swap3A_376 = tpu.vector_load %arg5[%swap3A_375] {strides = array<i32>} : memref<49152xf32, #tpu.memory_space<vmem>>, vector<16xf32>,
        tpu.vector_store %arg5[%swap3A_375], %broadcast_in_dim3A_1 {strides = array<i32>} : memref<49152xf32, #tpu.memory_space<vmem>>, vector<16xf32>,
        %neg3A_377 = arith.constant 0.000000e+00 : f32
        %neg3A_378 = vector.broadcast %neg3A_377 : f32 to vector<16xf32>
        %neg3A_379 = arith.subf %neg3A_378, %get3A_345 : vector<16xf32>
        %add3A_380 = arith.constant 16384 : i32
        %add3A_381 = arith.addi %add3A_380, %add3A_343 : i32
        %add3A_382 = arith.constant 256 : i32
        %add3A_383 = arith.addi %add3A_381, %add3A_382 : i32
        %swap3A_384 = arith.index_cast %add3A_383 : i32 to index
        %swap3A_385 = tpu.vector_load %arg5[%swap3A_384] {strides = array<i32>} : memref<49152xf32, #tpu.memory_space<vmem>>, vector<16xf32>,
        tpu.vector_store %arg5[%swap3A_384], %neg3A_379 {strides = array<i32>} : memref<49152xf32, #tpu.memory_space<vmem>>, vector<16xf32>,
        %neg3A_386 = arith.constant 0.000000e+00 : f32
        %neg3A_387 = vector.broadcast %neg3A_386 : f32 to vector<16xf32>
        %neg3A_388 = arith.subf %neg3A_387, %get3A_349 : vector<16xf32>
        %add3A_389 = arith.constant 32768 : i32
        %add3A_390 = arith.addi %add3A_389, %add3A_343 : i32
        %swap3A_391 = arith.index_cast %add3A_390 : i32 to index
        %swap3A_392 = tpu.vector_load %arg5[%swap3A_391] {strides = array<i32>} : memref<49152xf32, #tpu.memory_space<vmem>>, vector<16xf32>,
        tpu.vector_store %arg5[%swap3A_391], %neg3A_388 {strides = array<i32>} : memref<49152xf32, #tpu.memory_space<vmem>>, vector<16xf32>,
        %add3A_393 = arith.constant 32768 : i32
        %add3A_394 = arith.addi %add3A_393, %add3A_343 : i32
        %add3A_395 = arith.constant 128 : i32
        %add3A_396 = arith.addi %add3A_394, %add3A_395 : i32
        %swap3A_397 = arith.index_cast %add3A_396 : i32 to index
        %swap3A_398 = tpu.vector_load %arg5[%swap3A_397] {strides = array<i32>} : memref<49152xf32, #tpu.memory_space<vmem>>, vector<16xf32>,
        tpu.vector_store %arg5[%swap3A_397], %get3A_345 {strides = array<i32>} : memref<49152xf32, #tpu.memory_space<vmem>>, vector<16xf32>,
        %add3A_399 = arith.constant 32768 : i32
        %add3A_400 = arith.addi %add3A_399, %add3A_343 : i32
        %add3A_401 = arith.constant 256 : i32
        %add3A_402 = arith.addi %add3A_400, %add3A_401 : i32
        %swap3A_403 = arith.index_cast %add3A_402 : i32 to index
        %swap3A_404 = tpu.vector_load %arg5[%swap3A_403] {strides = array<i32>} : memref<49152xf32, #tpu.memory_space<vmem>>, vector<16xf32>,
        tpu.vector_store %arg5[%swap3A_403], %broadcast_in_dim3A_1 {strides = array<i32>} : memref<49152xf32, #tpu.memory_space<vmem>>, vector<16xf32>,
        %add3A_405 = arith.constant 96 : i32
        %add3A_406 = arith.addi %mul3A_29, %add3A_405 : i32
        %get3A_407 = arith.index_cast %add3A_406 : i32 to index
        %get3A_408 = tpu.vector_load %arg4[%get3A_407] {strides = array<i32>} : memref<16384xf32, #tpu.memory_space<vmem>>, vector<16xf32>,
        %add3A_409 = arith.constant 128 : i32
        %add3A_410 = arith.addi %add3A_406, %add3A_409 : i32
        %get3A_411 = arith.index_cast %add3A_410 : i32 to index
        %get3A_412 = tpu.vector_load %arg4[%get3A_411] {strides = array<i32>} : memref<16384xf32, #tpu.memory_space<vmem>>, vector<16xf32>,
        %add3A_413 = arith.constant 256 : i32
        %add3A_414 = arith.addi %add3A_406, %add3A_413 : i32
        %get3A_415 = arith.index_cast %add3A_414 : i32 to index
        %get3A_416 = tpu.vector_load %arg4[%get3A_415] {strides = array<i32>} : memref<16384xf32, #tpu.memory_space<vmem>>, vector<16xf32>,
        %swap3A_417 = arith.index_cast %add3A_406 : i32 to index
        %swap3A_418 = tpu.vector_load %arg5[%swap3A_417] {strides = array<i32>} : memref<49152xf32, #tpu.memory_space<vmem>>, vector<16xf32>,
        tpu.vector_store %arg5[%swap3A_417], %broadcast_in_dim3A_1 {strides = array<i32>} : memref<49152xf32, #tpu.memory_space<vmem>>, vector<16xf32>,
        %neg3A_419 = arith.constant 0.000000e+00 : f32
        %neg3A_420 = vector.broadcast %neg3A_419 : f32 to vector<16xf32>
        %neg3A_421 = arith.subf %neg3A_420, %get3A_416 : vector<16xf32>
        %add3A_422 = arith.constant 128 : i32
        %add3A_423 = arith.addi %add3A_406, %add3A_422 : i32
        %swap3A_424 = arith.index_cast %add3A_423 : i32 to index
        %swap3A_425 = tpu.vector_load %arg5[%swap3A_424] {strides = array<i32>} : memref<49152xf32, #tpu.memory_space<vmem>>, vector<16xf32>,
        tpu.vector_store %arg5[%swap3A_424], %neg3A_421 {strides = array<i32>} : memref<49152xf32, #tpu.memory_space<vmem>>, vector<16xf32>,
        %add3A_426 = arith.constant 256 : i32
        %add3A_427 = arith.addi %add3A_406, %add3A_426 : i32
        %swap3A_428 = arith.index_cast %add3A_427 : i32 to index
        %swap3A_429 = tpu.vector_load %arg5[%swap3A_428] {strides = array<i32>} : memref<49152xf32, #tpu.memory_space<vmem>>, vector<16xf32>,
        tpu.vector_store %arg5[%swap3A_428], %get3A_412 {strides = array<i32>} : memref<49152xf32, #tpu.memory_space<vmem>>, vector<16xf32>,
        %add3A_430 = arith.constant 16384 : i32
        %add3A_431 = arith.addi %add3A_430, %add3A_406 : i32
        %swap3A_432 = arith.index_cast %add3A_431 : i32 to index
        %swap3A_433 = tpu.vector_load %arg5[%swap3A_432] {strides = array<i32>} : memref<49152xf32, #tpu.memory_space<vmem>>, vector<16xf32>,
        tpu.vector_store %arg5[%swap3A_432], %get3A_416 {strides = array<i32>} : memref<49152xf32, #tpu.memory_space<vmem>>, vector<16xf32>,
        %add3A_434 = arith.constant 16384 : i32
        %add3A_435 = arith.addi %add3A_434, %add3A_406 : i32
        %add3A_436 = arith.constant 128 : i32
        %add3A_437 = arith.addi %add3A_435, %add3A_436 : i32
        %swap3A_438 = arith.index_cast %add3A_437 : i32 to index
        %swap3A_439 = tpu.vector_load %arg5[%swap3A_438] {strides = array<i32>} : memref<49152xf32, #tpu.memory_space<vmem>>, vector<16xf32>,
        tpu.vector_store %arg5[%swap3A_438], %broadcast_in_dim3A_1 {strides = array<i32>} : memref<49152xf32, #tpu.memory_space<vmem>>, vector<16xf32>,
        %neg3A_440 = arith.constant 0.000000e+00 : f32
        %neg3A_441 = vector.broadcast %neg3A_440 : f32 to vector<16xf32>
        %neg3A_442 = arith.subf %neg3A_441, %get3A_408 : vector<16xf32>
        %add3A_443 = arith.constant 16384 : i32
        %add3A_444 = arith.addi %add3A_443, %add3A_406 : i32
        %add3A_445 = arith.constant 256 : i32
        %add3A_446 = arith.addi %add3A_444, %add3A_445 : i32
        %swap3A_447 = arith.index_cast %add3A_446 : i32 to index
        %swap3A_448 = tpu.vector_load %arg5[%swap3A_447] {strides = array<i32>} : memref<49152xf32, #tpu.memory_space<vmem>>, vector<16xf32>,
        tpu.vector_store %arg5[%swap3A_447], %neg3A_442 {strides = array<i32>} : memref<49152xf32, #tpu.memory_space<vmem>>, vector<16xf32>,
        %neg3A_449 = arith.constant 0.000000e+00 : f32
        %neg3A_450 = vector.broadcast %neg3A_449 : f32 to vector<16xf32>
        %neg3A_451 = arith.subf %neg3A_450, %get3A_412 : vector<16xf32>
        %add3A_452 = arith.constant 32768 : i32
        %add3A_453 = arith.addi %add3A_452, %add3A_406 : i32
        %swap3A_454 = arith.index_cast %add3A_453 : i32 to index
        %swap3A_455 = tpu.vector_load %arg5[%swap3A_454] {strides = array<i32>} : memref<49152xf32, #tpu.memory_space<vmem>>, vector<16xf32>,
        tpu.vector_store %arg5[%swap3A_454], %neg3A_451 {strides = array<i32>} : memref<49152xf32, #tpu.memory_space<vmem>>, vector<16xf32>,
        %add3A_456 = arith.constant 32768 : i32
        %add3A_457 = arith.addi %add3A_456, %add3A_406 : i32
        %add3A_458 = arith.constant 128 : i32
        %add3A_459 = arith.addi %add3A_457, %add3A_458 : i32
        %swap3A_460 = arith.index_cast %add3A_459 : i32 to index
        %swap3A_461 = tpu.vector_load %arg5[%swap3A_460] {strides = array<i32>} : memref<49152xf32, #tpu.memory_space<vmem>>, vector<16xf32>,
        tpu.vector_store %arg5[%swap3A_460], %get3A_408 {strides = array<i32>} : memref<49152xf32, #tpu.memory_space<vmem>>, vector<16xf32>,
        %add3A_462 = arith.constant 32768 : i32
        %add3A_463 = arith.addi %add3A_462, %add3A_406 : i32
        %add3A_464 = arith.constant 256 : i32
        %add3A_465 = arith.addi %add3A_463, %add3A_464 : i32
        %swap3A_466 = arith.index_cast %add3A_465 : i32 to index
        %swap3A_467 = tpu.vector_load %arg5[%swap3A_466] {strides = array<i32>} : memref<49152xf32, #tpu.memory_space<vmem>>, vector<16xf32>,
        tpu.vector_store %arg5[%swap3A_466], %broadcast_in_dim3A_1 {strides = array<i32>} : memref<49152xf32, #tpu.memory_space<vmem>>, vector<16xf32>,
        %add3A_468 = arith.constant 112 : i32
        %add3A_469 = arith.addi %mul3A_29, %add3A_468 : i32
        %get3A_470 = arith.index_cast %add3A_469 : i32 to index
        %get3A_471 = tpu.vector_load %arg4[%get3A_470] {strides = array<i32>} : memref<16384xf32, #tpu.memory_space<vmem>>, vector<16xf32>,
        %add3A_472 = arith.constant 128 : i32
        %add3A_473 = arith.addi %add3A_469, %add3A_472 : i32
        %get3A_474 = arith.index_cast %add3A_473 : i32 to index
        %get3A_475 = tpu.vector_load %arg4[%get3A_474] {strides = array<i32>} : memref<16384xf32, #tpu.memory_space<vmem>>, vector<16xf32>,
        %add3A_476 = arith.constant 256 : i32
        %add3A_477 = arith.addi %add3A_469, %add3A_476 : i32
        %get3A_478 = arith.index_cast %add3A_477 : i32 to index
        %get3A_479 = tpu.vector_load %arg4[%get3A_478] {strides = array<i32>} : memref<16384xf32, #tpu.memory_space<vmem>>, vector<16xf32>,
        %swap3A_480 = arith.index_cast %add3A_469 : i32 to index
        %swap3A_481 = tpu.vector_load %arg5[%swap3A_480] {strides = array<i32>} : memref<49152xf32, #tpu.memory_space<vmem>>, vector<16xf32>,
        tpu.vector_store %arg5[%swap3A_480], %broadcast_in_dim3A_1 {strides = array<i32>} : memref<49152xf32, #tpu.memory_space<vmem>>, vector<16xf32>,
        %neg3A_482 = arith.constant 0.000000e+00 : f32
        %neg3A_483 = vector.broadcast %neg3A_482 : f32 to vector<16xf32>
        %neg3A_484 = arith.subf %neg3A_483, %get3A_479 : vector<16xf32>
        %add3A_485 = arith.constant 128 : i32
        %add3A_486 = arith.addi %add3A_469, %add3A_485 : i32
        %swap3A_487 = arith.index_cast %add3A_486 : i32 to index
        %swap3A_488 = tpu.vector_load %arg5[%swap3A_487] {strides = array<i32>} : memref<49152xf32, #tpu.memory_space<vmem>>, vector<16xf32>,
        tpu.vector_store %arg5[%swap3A_487], %neg3A_484 {strides = array<i32>} : memref<49152xf32, #tpu.memory_space<vmem>>, vector<16xf32>,
        %add3A_489 = arith.constant 256 : i32
        %add3A_490 = arith.addi %add3A_469, %add3A_489 : i32
        %swap3A_491 = arith.index_cast %add3A_490 : i32 to index
        %swap3A_492 = tpu.vector_load %arg5[%swap3A_491] {strides = array<i32>} : memref<49152xf32, #tpu.memory_space<vmem>>, vector<16xf32>,
        tpu.vector_store %arg5[%swap3A_491], %get3A_475 {strides = array<i32>} : memref<49152xf32, #tpu.memory_space<vmem>>, vector<16xf32>,
        %add3A_493 = arith.constant 16384 : i32
        %add3A_494 = arith.addi %add3A_493, %add3A_469 : i32
        %swap3A_495 = arith.index_cast %add3A_494 : i32 to index
        %swap3A_496 = tpu.vector_load %arg5[%swap3A_495] {strides = array<i32>} : memref<49152xf32, #tpu.memory_space<vmem>>, vector<16xf32>,
        tpu.vector_store %arg5[%swap3A_495], %get3A_479 {strides = array<i32>} : memref<49152xf32, #tpu.memory_space<vmem>>, vector<16xf32>,
        %add3A_497 = arith.constant 16384 : i32
        %add3A_498 = arith.addi %add3A_497, %add3A_469 : i32
        %add3A_499 = arith.constant 128 : i32
        %add3A_500 = arith.addi %add3A_498, %add3A_499 : i32
        %swap3A_501 = arith.index_cast %add3A_500 : i32 to index
        %swap3A_502 = tpu.vector_load %arg5[%swap3A_501] {strides = array<i32>} : memref<49152xf32, #tpu.memory_space<vmem>>, vector<16xf32>,
        tpu.vector_store %arg5[%swap3A_501], %broadcast_in_dim3A_1 {strides = array<i32>} : memref<49152xf32, #tpu.memory_space<vmem>>, vector<16xf32>,
        %neg3A_503 = arith.constant 0.000000e+00 : f32
        %neg3A_504 = vector.broadcast %neg3A_503 : f32 to vector<16xf32>
        %neg3A_505 = arith.subf %neg3A_504, %get3A_471 : vector<16xf32>
        %add3A_506 = arith.constant 16384 : i32
        %add3A_507 = arith.addi %add3A_506, %add3A_469 : i32
        %add3A_508 = arith.constant 256 : i32
        %add3A_509 = arith.addi %add3A_507, %add3A_508 : i32
        %swap3A_510 = arith.index_cast %add3A_509 : i32 to index
        %swap3A_511 = tpu.vector_load %arg5[%swap3A_510] {strides = array<i32>} : memref<49152xf32, #tpu.memory_space<vmem>>, vector<16xf32>,
        tpu.vector_store %arg5[%swap3A_510], %neg3A_505 {strides = array<i32>} : memref<49152xf32, #tpu.memory_space<vmem>>, vector<16xf32>,
        %neg3A_512 = arith.constant 0.000000e+00 : f32
        %neg3A_513 = vector.broadcast %neg3A_512 : f32 to vector<16xf32>
        %neg3A_514 = arith.subf %neg3A_513, %get3A_475 : vector<16xf32>
        %add3A_515 = arith.constant 32768 : i32
        %add3A_516 = arith.addi %add3A_515, %add3A_469 : i32
        %swap3A_517 = arith.index_cast %add3A_516 : i32 to index
        %swap3A_518 = tpu.vector_load %arg5[%swap3A_517] {strides = array<i32>} : memref<49152xf32, #tpu.memory_space<vmem>>, vector<16xf32>,
        tpu.vector_store %arg5[%swap3A_517], %neg3A_514 {strides = array<i32>} : memref<49152xf32, #tpu.memory_space<vmem>>, vector<16xf32>,
        %add3A_519 = arith.constant 32768 : i32
        %add3A_520 = arith.addi %add3A_519, %add3A_469 : i32
        %add3A_521 = arith.constant 128 : i32
        %add3A_522 = arith.addi %add3A_520, %add3A_521 : i32
        %swap3A_523 = arith.index_cast %add3A_522 : i32 to index
        %swap3A_524 = tpu.vector_load %arg5[%swap3A_523] {strides = array<i32>} : memref<49152xf32, #tpu.memory_space<vmem>>, vector<16xf32>,
        tpu.vector_store %arg5[%swap3A_523], %get3A_471 {strides = array<i32>} : memref<49152xf32, #tpu.memory_space<vmem>>, vector<16xf32>,
        %add3A_525 = arith.constant 32768 : i32
        %add3A_526 = arith.addi %add3A_525, %add3A_469 : i32
        %add3A_527 = arith.constant 256 : i32
        %add3A_528 = arith.addi %add3A_526, %add3A_527 : i32
        %swap3A_529 = arith.index_cast %add3A_528 : i32 to index
        %swap3A_530 = tpu.vector_load %arg5[%swap3A_529] {strides = array<i32>} : memref<49152xf32, #tpu.memory_space<vmem>>, vector<16xf32>,
        tpu.vector_store %arg5[%swap3A_529], %broadcast_in_dim3A_1 {strides = array<i32>} : memref<49152xf32, #tpu.memory_space<vmem>>, vector<16xf32>,
      }
      %scan3A_20 = arith.constant 32 : i32
      %add3A_21 = arith.constant 0 : i32
      %add3A_22 = arith.addi %add3A_21, %mul3A_14 : i32
      "tpu.region"() ({
        %run_scoped3A = tpu.sem_alloc : memref<!tpu.dma_semaphore, #tpu.memory_space<semaphore_mem>>
        %dma_start3A = arith.constant 0 : i32
        %dma_start3A_27 = tpu.memref_slice %arg5[%dma_start3A] : memref<49152xf32, #tpu.memory_space<vmem>> -> memref<16384xf32, #tpu.memory_space<vmem>>
        %dma_start3A_28 = tpu.memref_slice %arg3[%add3A_22] : memref<12582912xf32, #tpu.memory_space<hbm>> -> memref<16384xf32, #tpu.memory_space<hbm>>
        %dma_start3A_29 = tpu.memref_slice %arg3[%add3A_22] : memref<12582912xf32, #tpu.memory_space<hbm>> -> memref<16384xf32, #tpu.memory_space<hbm>>
        %dma_start3A_30 = arith.constant 0 : i32
        %dma_start3A_31 = tpu.memref_slice %arg5[%dma_start3A_30] : memref<49152xf32, #tpu.memory_space<vmem>> -> memref<16384xf32, #tpu.memory_space<vmem>>
        tpu.enqueue_dma source(%dma_start3A_31 : memref<16384xf32, #tpu.memory_space<vmem>>) target(%dma_start3A_29 : memref<16384xf32, #tpu.memory_space<hbm>>) target_semaphore(%run_scoped3A : memref<!tpu.dma_semaphore, #tpu.memory_space<semaphore_mem>>)
        %dma_wait3A = arith.constant 0 : i32
        %dma_wait3A_32 = tpu.memref_slice %arg5[%dma_wait3A] : memref<49152xf32, #tpu.memory_space<vmem>> -> memref<16384xf32, #tpu.memory_space<vmem>>
        %dma_wait3A_33 = tpu.memref_slice %arg3[%add3A_22] : memref<12582912xf32, #tpu.memory_space<hbm>> -> memref<16384xf32, #tpu.memory_space<hbm>>
        %dma_wait3A_34 = tpu.memref_slice %arg3[%add3A_22] : memref<12582912xf32, #tpu.memory_space<hbm>> -> memref<16384xf32, #tpu.memory_space<hbm>>
        %dma_wait3A_35 = arith.constant 0 : i32
        %dma_wait3A_36 = tpu.memref_slice %arg5[%dma_wait3A_35] : memref<49152xf32, #tpu.memory_space<vmem>> -> memref<16384xf32, #tpu.memory_space<vmem>>
        tpu.wait_dma2 semaphore(%run_scoped3A : memref<!tpu.dma_semaphore, #tpu.memory_space<semaphore_mem>>) src(%dma_wait3A_36 : memref<16384xf32, #tpu.memory_space<vmem>>) dst(%dma_wait3A_34 : memref<16384xf32, #tpu.memory_space<hbm>>)
        tpu.yield
      }) : () -> ()
      %add3A_23 = arith.constant 4194304 : i32
      %add3A_24 = arith.addi %add3A_23, %mul3A_14 : i32
      "tpu.region"() ({
        %run_scoped3A = tpu.sem_alloc : memref<!tpu.dma_semaphore, #tpu.memory_space<semaphore_mem>>
        %dma_start3A = arith.constant 16384 : i32
        %dma_start3A_27 = tpu.memref_slice %arg5[%dma_start3A] : memref<49152xf32, #tpu.memory_space<vmem>> -> memref<16384xf32, #tpu.memory_space<vmem>>
        %dma_start3A_28 = tpu.memref_slice %arg3[%add3A_24] : memref<12582912xf32, #tpu.memory_space<hbm>> -> memref<16384xf32, #tpu.memory_space<hbm>>
        %dma_start3A_29 = tpu.memref_slice %arg3[%add3A_24] : memref<12582912xf32, #tpu.memory_space<hbm>> -> memref<16384xf32, #tpu.memory_space<hbm>>
        %dma_start3A_30 = arith.constant 16384 : i32
        %dma_start3A_31 = tpu.memref_slice %arg5[%dma_start3A_30] : memref<49152xf32, #tpu.memory_space<vmem>> -> memref<16384xf32, #tpu.memory_space<vmem>>
        tpu.enqueue_dma source(%dma_start3A_31 : memref<16384xf32, #tpu.memory_space<vmem>>) target(%dma_start3A_29 : memref<16384xf32, #tpu.memory_space<hbm>>) target_semaphore(%run_scoped3A : memref<!tpu.dma_semaphore, #tpu.memory_space<semaphore_mem>>)
        %dma_wait3A = arith.constant 16384 : i32
        %dma_wait3A_32 = tpu.memref_slice %arg5[%dma_wait3A] : memref<49152xf32, #tpu.memory_space<vmem>> -> memref<16384xf32, #tpu.memory_space<vmem>>
        %dma_wait3A_33 = tpu.memref_slice %arg3[%add3A_24] : memref<12582912xf32, #tpu.memory_space<hbm>> -> memref<16384xf32, #tpu.memory_space<hbm>>
        %dma_wait3A_34 = tpu.memref_slice %arg3[%add3A_24] : memref<12582912xf32, #tpu.memory_space<hbm>> -> memref<16384xf32, #tpu.memory_space<hbm>>
        %dma_wait3A_35 = arith.constant 16384 : i32
        %dma_wait3A_36 = tpu.memref_slice %arg5[%dma_wait3A_35] : memref<49152xf32, #tpu.memory_space<vmem>> -> memref<16384xf32, #tpu.memory_space<vmem>>
        tpu.wait_dma2 semaphore(%run_scoped3A : memref<!tpu.dma_semaphore, #tpu.memory_space<semaphore_mem>>) src(%dma_wait3A_36 : memref<16384xf32, #tpu.memory_space<vmem>>) dst(%dma_wait3A_34 : memref<16384xf32, #tpu.memory_space<hbm>>)
        tpu.yield
      }) : () -> ()
      %add3A_25 = arith.constant 8388608 : i32
      %add3A_26 = arith.addi %add3A_25, %mul3A_14 : i32
      "tpu.region"() ({
        %run_scoped3A = tpu.sem_alloc : memref<!tpu.dma_semaphore, #tpu.memory_space<semaphore_mem>>
        %dma_start3A = arith.constant 32768 : i32
        %dma_start3A_27 = tpu.memref_slice %arg5[%dma_start3A] : memref<49152xf32, #tpu.memory_space<vmem>> -> memref<16384xf32, #tpu.memory_space<vmem>>
        %dma_start3A_28 = tpu.memref_slice %arg3[%add3A_26] : memref<12582912xf32, #tpu.memory_space<hbm>> -> memref<16384xf32, #tpu.memory_space<hbm>>
        %dma_start3A_29 = tpu.memref_slice %arg3[%add3A_26] : memref<12582912xf32, #tpu.memory_space<hbm>> -> memref<16384xf32, #tpu.memory_space<hbm>>
        %dma_start3A_30 = arith.constant 32768 : i32
        %dma_start3A_31 = tpu.memref_slice %arg5[%dma_start3A_30] : memref<49152xf32, #tpu.memory_space<vmem>> -> memref<16384xf32, #tpu.memory_space<vmem>>
        tpu.enqueue_dma source(%dma_start3A_31 : memref<16384xf32, #tpu.memory_space<vmem>>) target(%dma_start3A_29 : memref<16384xf32, #tpu.memory_space<hbm>>) target_semaphore(%run_scoped3A : memref<!tpu.dma_semaphore, #tpu.memory_space<semaphore_mem>>)
        %dma_wait3A = arith.constant 32768 : i32
        %dma_wait3A_32 = tpu.memref_slice %arg5[%dma_wait3A] : memref<49152xf32, #tpu.memory_space<vmem>> -> memref<16384xf32, #tpu.memory_space<vmem>>
        %dma_wait3A_33 = tpu.memref_slice %arg3[%add3A_26] : memref<12582912xf32, #tpu.memory_space<hbm>> -> memref<16384xf32, #tpu.memory_space<hbm>>
        %dma_wait3A_34 = tpu.memref_slice %arg3[%add3A_26] : memref<12582912xf32, #tpu.memory_space<hbm>> -> memref<16384xf32, #tpu.memory_space<hbm>>
        %dma_wait3A_35 = arith.constant 32768 : i32
        %dma_wait3A_36 = tpu.memref_slice %arg5[%dma_wait3A_35] : memref<49152xf32, #tpu.memory_space<vmem>> -> memref<16384xf32, #tpu.memory_space<vmem>>
        tpu.wait_dma2 semaphore(%run_scoped3A : memref<!tpu.dma_semaphore, #tpu.memory_space<semaphore_mem>>) src(%dma_wait3A_36 : memref<16384xf32, #tpu.memory_space<vmem>>) dst(%dma_wait3A_34 : memref<16384xf32, #tpu.memory_space<hbm>>)
        tpu.yield
      }) : () -> ()
    }
    %scan3A_8 = arith.constant 8 : i32
    return
  }
}

</mosaic_0001>

<sc_bundles>
// kernel: kernel.3.cloned.1.call-start
scs
__scs_entry_jumppad:
0x0: {  	(pc) =	sbr.rel $0x88, $3  }
0x1: {  	(tag) =	ssettag $0x0;
	lr =	simm.s32 $0x1  }
0x2: {  	[smem:$0x3FA0] =	sst lr;
	_ =	strace $0xD0000000  }
0x3: {  	_ = 	snop  }
0x4: {  	_ = 	snop  }
0x5: {  	_ = 	snop  }
0x6: {  	_ = 	snop  }
0x7: {  	_ = 	snop  }
__scs_overlays_trampoline_lowered:
0x8: {  	[smem:$0x3FAF] =	sst s0  }
0x9: {  	[smem:$0x3FB0] =	sst s1  }
0xa: {  	[smem:$0x3FB1] =	sst s2  }
0xb: {  	[smem:$0x3FB2] =	sst s3  }
0xc: {  	[smem:$0x3FB3] =	sst s4  }
0xd: {  	[smem:$0x3FB4] =	sst s5  }
0xe: {  	[smem:$0x3FB5] =	sst s6  }
0xf: {  	[smem:$0x3FB6] =	sst s7  }
0x10: {  	[smem:$0x3FB7] =	sst s8  }
0x11: {  	[smem:$0x3FB8] =	sst s9;
	s0 =	simm.s32 @!p0 $0x0  }
0x12: {  	s1 =	sld [smem:$0x3F9E];
	s0 =	simm.s32 @p0 $0x1  }
0x13: {  	[smem:$0x3FB9] =	sst s0;
	s0 =	simm.s32 @!p1 $0x0  }
0x14: {  	s2 =	sld [smem:$0x3F9D];
	s0 =	simm.s32 @p1 $0x1  }
0x15: {  	[smem:$0x3FBA] =	sst s0;
	s0 =	simm.s32 @!p2 $0x0  }
0x16: {  	s3 =	sld [smem:$0x3FDB];
	s0 =	simm.s32 @p2 $0x1  }
0x17: {  	s4 =	simm.s32 $0x1BF5;
	[smem:$0x3FBC] =	sst s0  }
0x18: {  	s0 =	sld [smem:$0x3F9F];
	_ =	swait.ge [sflag:s4], $0x0  }
0x19: {  	s7 =	sld [smem:$0x3FA0]  }
0x1a: {  	s8 =	sadd.s32 $0xFFFFE003, lr  }
0x1b: {  	s9 =	sadd.s32 $0xFFFFFEF7, lr;
	s5 =	simm.s32 $0xFFFFFFFF;
	p2 =	slt.u32 s8, $0xFFFFF086  }
0x1c: {  	p1 =	slt.u32 s9, $0xF7A;
	s5 =	simm.s32 @!p2 $0x0  }
0x1d: {  	s5 =	simm.s32 @p1 $0x1;
	p0 =	seq.s32 s7, s2  }
0x1e: {  	s7 =	smul.u32 @!p0 $0xF7A, s2;
	p2 =	seq.s32 @!p0 s5, $0x0  }
0x1f: {  	s9 =	smul.u32 $0xF7A, s1;
	s8 =	simm.s32 @!p0 $0x1BF5;
	p2 =	por !p2, p0  }
0x20: {  	[sflag:s8] =	ssyncset.s32 @!p0 $0xFFFFF086;
	s6 =	sadd.s32 @!p0 s3, s7;
	s7 =	simm.s32 @!p0 $0x108  }
0x21: {  	s3 =	sadd.s32 s3, s9;
	s6 =	sadd.s32 @!p0 $0x88, s6;
	s7 =	simm.s32 @p2 $0x1082  }
0x22: {  	[simem:s7], [sflag:s8] =	dma.local @!p0 [hbm:s6], $0xF7A  }
0x23: {  	s9 =	sor.u32 $0xD0000000, s2;
	s6 =	simm.s32 $0x108;
	_ =	swait.ge @!p0 [sflag:s8], $0x0  }
0x24: {  	s3 =	sadd.s32 $0x88, s3;
	s6 =	simm.s32 @!p1 $0x1082;
	[sflag:s4] =	ssyncset.s32 $0xFFFFF086  }
0x25: {  	[simem:s6], [sflag:s4] =	dma.local [hbm:s3], $0xF7A  }
0x26: {  	[smem:$0x3FA0] =	sst s1;
	(tag) =	ssettag s2;
	_ =	strace s9  }
0x27: {  	s1 =	sld [smem:$0x3FB0]  }
0x28: {  	s2 =	sld [smem:$0x3FB1]  }
0x29: {  	s4 =	sld [smem:$0x3FB3]  }
0x2a: {  	p0 =	seq.s32 s5, $0x0;
	s5 =	sld [smem:$0x3FB4]  }
0x2b: {  	s6 =	sld [smem:$0x3FB5]  }
0x2c: {  	s7 =	sld [smem:$0x3FB6]  }
0x2d: {  	s3 =	simm.s32 $0x108;
	s8 =	sld [smem:$0x3FB7]  }
0x2e: {  	s3 =	simm.s32 @!p0 $0x1082;
	s9 =	sld [smem:$0x3FB8]  }
0x2f: {  	lr =	sadd.s32 s0, s3;
	s0 =	sld [smem:$0x3FAF]  }
0x30: {  	s3 =	sld [smem:$0x3FB2]  }
0x31: {  	[smem:$0x3FBB] =	sst s10  }
0x32: {  	s10 =	sld [smem:$0x3FB9];
	_ =	sdelay $0x3  }
0x33: {  	p0 =	seq.s32 s10, $0x1;
	s10 =	sld [smem:$0x3FBB];
	_ =	sdelay $0x3  }
0x34: {  	[smem:$0x3FBB] =	sst s10  }
0x35: {  	s10 =	sld [smem:$0x3FBA];
	_ =	sdelay $0x3  }
0x36: {  	p1 =	seq.s32 s10, $0x1;
	s10 =	sld [smem:$0x3FBB];
	_ =	sdelay $0x3  }
0x37: {  	[smem:$0x3FBB] =	sst s10  }
0x38: {  	s10 =	sld [smem:$0x3FBC]  }
0x39: {  	_ = 	snop;
	(pc) =	sbr.ind lr, $3  }
0x3a: {  	_ = 	snop  }
0x3b: {  	_ = 	snop  }
0x3c: {  	p2 =	seq.s32 s10, $0x1;
	s10 =	sld [smem:$0x3FBB]  }
0x3d: {  	_ =	shalt  }
0x3e: {  	_ =	shalt  }
0x3f: {  	_ =	shalt  }
0x40: {  	_ =	shalt  }
0x41: {  	_ =	shalt  }
0x42: {  	_ =	shalt  }
0x43: {  	_ =	shalt  }
0x44: {  	_ =	shalt  }
0x45: {  	_ =	shalt  }
0x46: {  	_ =	shalt  }
0x47: {  	_ =	shalt  }
0x48: {  	_ =	shalt  }
0x49: {  	_ =	shalt  }
0x4a: {  	_ =	shalt  }
0x4b: {  	_ =	shalt  }
0x4c: {  	_ =	shalt  }
0x4d: {  	_ =	shalt  }
0x4e: {  	_ =	shalt  }
0x4f: {  	_ =	shalt  }
0x50: {  	_ =	shalt  }
0x51: {  	_ =	shalt  }
0x52: {  	_ =	shalt  }
0x53: {  	_ =	shalt  }
0x54: {  	_ =	shalt  }
0x55: {  	_ =	shalt  }
0x56: {  	_ =	shalt  }
0x57: {  	_ =	shalt  }
0x58: {  	_ =	shalt  }
0x59: {  	_ =	shalt  }
0x5a: {  	_ =	shalt  }
0x5b: {  	_ =	shalt  }
0x5c: {  	_ =	shalt  }
0x5d: {  	_ =	shalt  }
0x5e: {  	_ =	shalt  }
0x5f: {  	_ =	shalt  }
0x60: {  	_ =	shalt  }
0x61: {  	_ =	shalt  }
0x62: {  	_ =	shalt  }
0x63: {  	_ =	shalt  }
0x64: {  	_ =	shalt  }
0x65: {  	_ =	shalt  }
0x66: {  	_ =	shalt  }
0x67: {  	_ =	shalt  }
0x68: {  	_ =	shalt  }
0x69: {  	_ =	shalt  }
0x6a: {  	_ =	shalt  }
0x6b: {  	_ =	shalt  }
0x6c: {  	_ =	shalt  }
0x6d: {  	_ =	shalt  }
0x6e: {  	_ =	shalt  }
0x6f: {  	_ =	shalt  }
0x70: {  	_ =	shalt  }
0x71: {  	_ =	shalt  }
0x72: {  	_ =	shalt  }
0x73: {  	_ =	shalt  }
0x74: {  	_ =	shalt  }
0x75: {  	_ =	shalt  }
0x76: {  	_ =	shalt  }
0x77: {  	_ =	shalt  }
0x78: {  	_ =	shalt  }
0x79: {  	_ =	shalt  }
0x7a: {  	_ =	shalt  }
0x7b: {  	_ =	shalt  }
0x7c: {  	_ =	shalt  }
0x7d: {  	_ =	shalt  }
0x7e: {  	_ =	shalt  }
0x7f: {  	_ =	shalt  }
0x80: {  	_ =	shalt  }
0x81: {  	_ =	shalt  }
0x82: {  	_ =	shalt  }
0x83: {  	_ =	shalt  }
0x84: {  	_ =	shalt  }
0x85: {  	_ =	shalt  }
0x86: {  	_ =	shalt  }
0x87: {  	_ =	shalt  }
.Lfunc_end0:
.L_simem_size_0:
called_computation_lowered:
.L_overlay_start_0:
0x88: {  	s2 =	sld [smem:$0x3FD9]  }
0x89: {  	s3 =	sld [smem:$0x3FFE];
	_ =	sdelay $0x1  }
0x8a: {  	s1 =	srdreg.scid  }
0x8b: {  	s0 =	sand.u32 $0x1, s1  }
0x8c: {  	s17 =	sshll.u32 s0, $0xA;
	s2 =	sadd.s32 s3, s2  }
0x8d: {  	s2 =	sadd.s32 s2, s17  }
0x8e: {  	[smem:$0x3FC7] =	sst s2  }
0x8f: {  	_ = 	snop  }
0x90: {  	s2 =	sld [smem:$0x3FD0];
	(tm) =	ssettm $0x1  }
0x91: {  	s18 =	sld [smem:$0x3FFB];
	_ =	sdelay $0x3  }
0x92: {  	_ =	strace s18  }
0x93: {  	s3 =	sld [smem:$0x3FFC];
	_ =	sdelay $0x3  }
0x94: {  	_ =	strace s3  }
0x95: {  	s3 =	sld [smem:$0x3FFD];
	_ =	sdelay $0x3  }
0x96: {  	_ =	strace s3  }
0x97: {  	_ =	strace $0x8FFFFFFF  }
0x98: {  	s19 =	sld [smem:$0x3FDB];
	_ =	sdelay $0x1  }
0x99: {  	s4 =	simm.s32 $_scs_section_size  }
0x9a: {  	s5 =	simm.s32 $_size__tile_overlayer_lowered;
	s6 =	simm.s32 $_tile_overlayer_lowered  }
0x9b: {  	s22 =	simm.s32 $0x1BFF;
	s21 =	sshll.u32 s6, $0x1;
	s3 =	sadd.s32 s4, s19  }
0x9c: {  	s7 =	simm.s32 $0x0;
	s20 =	sshll.u32 s5, $0x1;
	s5 =	sadd.s32 s21, s3  }
0x9d: {  	[timem:s7], [sflag:s22] =	dma.local [hbm:s5], s20  }
0x9e: {  	_ =	swait.ge [sflag:s22], s20  }
0x9f: {  	s4 =	ssub.s32 $0x0, s20;
	[sflag:s22] =	ssyncset.done $0x0  }
0xa0: {  	[sflag:s22] =	ssyncadd.s32 s4;
	_ =	sdelay $0x1  }
0xa1: {  	s23 =	simm.s32 $0x1B8B  }
0xa2: {  	_ =	swait.ge [sflag:s23], $0x1  }
0xa3: {  	[sflag:s23] =	ssyncset.done $0x0  }
0xa4: {  	s25 =	simm.s32 $0x1B8E;
	s24 =	sld [smem:$0x3FFE];
	[sflag:s23] =	ssyncadd.s32 $0xFFFFFFFF  }
0xa5: {  	s26 =	simm.s32 $execute0_lowered;
	[smem:$0x3FD2] =	sst s25  }
0xa6: {  	s5 =	sshll.u32 s26, $0x1;
	_ =	strace $0x80000046;
	[dreg:$0x1] =	wrdreg $0xFFFFFFFF  }
0xa7: {  	s28 =	simm.s32 $_size_execute0_lowered;
	s3 =	sadd.s32 s3, s5;
	[dreg:$0x0] =	wrdreg $0x0  }
0xa8: {  	s5 =	sshll.u32 s28, $0x1;
	[dreg:$0x2] =	wrdreg s3  }
0xa9: {  	[dreg:$0x3] =	wrdreg s5  }
0xaa: {  	[dreg:$0x4] =	wrdreg $0xC0  }
0xab: {  	_ =	task [dreg:s7], $0x5FFFF  }
0xac: {  	[dreg:$0x1] =	wrdreg $0xFFFFFFFF  }
0xad: {  	[dreg:$0x0] =	wrdreg $0x60  }
0xae: {  	[dreg:$0x2] =	wrdreg s2  }
0xaf: {  	[dreg:$0x3] =	wrdreg s24  }
0xb0: {  	[dreg:$0x4] =	wrdreg $0x9  }
0xb1: {  	_ =	task.clear_ibuf [dreg:s7], $0x5FFFF;
	_ =	strace $0x90000046  }
0xb2: {  	s29 =	simm.s32 $0x9;
	_ =	strace $0x80000048  }
0xb3: {  	_ =	swait.ge [sflag:s29], $0x1  }
0xb4: {  	[sflag:s29] =	ssyncadd.s32 $0xFFFFFFFF  }
0xb5: {  	_ =	strace $0x90000048  }
0xb6: {  	_ =	sfence  }
0xb7: {  	s30 =	sld [smem:$0x0];
	_ =	sdelay $0x2  }
0xb8: {  	s31 =	sshll.u32 s1, $0xD;
	s1 =	sshrl.u32 s1, $0x2  }
0xb9: {  	s3 =	sand.u32 $0x4000, s31;
	s1 =	sadd.s32 s1, s30  }
0xba: {  	s0 =	sor.u32 s3, s0;
	s1 =	sshll.u32 s1, $0x11  }
0xbb: {  	s0 =	sor.u32 s1, s0  }
0xbc: {  	s0 =	sadd.s32 $0x8F2B, s0  }
0xbd: {  	[sflag:s0] =	ssyncadd.remote.s32 $0x1  }
0xbe: {  	_ =	sfence.sel $0xFFFF  }
0xbf: {  	[dreg:$0x0] =	wrdreg $0xFFFFFFFF;
	(pc) =	sbr.abs _section_cstart, $3  }
0xc0: {  	[dreg:$0x1] =	wrdreg $0xFFFFFFFF  }
0xc1: {  	_ =	task.clear_ibuf [dreg:s7], $0x2FFFF;
	_ =	strace $0x9FFFFFFF  }
0xc2: {  	(tm) =	ssettm $0x7FFFFFFF  }
0xc3: {  	_ =	shalt  }
tec
execute0_lowered:
.L_overlay_start_1:
0x0: {  	(tag) =	ssettag $0x1  }
0x1: {  	s1 =	rddreg [dreg:$0x0]  }
0x2: {  	s7 =	rddreg [dreg:$0x1]  }
0x3: {  	s0 =	rddreg [dreg:$0x2]  }
0x4: {  	s2 =	simm.s32 $0x0;
	s3 =	srdreg.scid;
	s9 =	simm.s32 $0x1  }
0x5: {  	s10 =	simm.s32 $0x4000;
	s11 =	simm.s32 $0x8000;
	s12 =	simm.s32 $0xC000  }
0x6: {  	s13 =	simm.s32 $0x0;
	[smem:$0x7FF] =	sst s2;
	s5 =	sand.u32 $0x1, s3  }
0x7: {  	s4 =	sadd.s32 $0x400, s7;
	s3 =	stileid.u32;
	s6 =	ssub.s32 $0x2, s5  }
0x8: {  	s31 =	sshll.u32 s3, $0xF;
	s5 =	sshll.u32 s5, $0xE;
	s8 =	sshrl.u32 s6, $0x1  }
0x9: {  	_ =	strace $0x80000047;
	s5 =	sor.u32 s5, s31;
	s8 =	ssub.s32 s6, s8  }
0xa: {  	v0 =	vimm.f32 $0.0e+00;
	s6 =	sadd.s32 $0x80400, s7;
	s7 =	sadd.s32 $0x100400, s7;
	s8 =	smax.u32 s8, $0x1  }
.LBB2_1:
0xb: {  	s14 =	simm.s32 $0x0  }
.LBB2_2:
0xc: {  	s15 =	sshll.u32 s14, $0xB  }
0xd: {  	s15 =	sadd.s32 s5, s15  }
0xe: {  	s17 =	simm.s32 $0x0;
	s16 =	sadd.s32 s1, s15  }
0xf: {  	[tilespmem:s17], [sflag:$0x1] =	stream.linear.gather [hbm4b:s16+s17], $0x4000, $0x38;
	[tilespmem:$0x10000] =	vst v63  }
0x10: {  	_ =	swait.ge [sflag:s9], $0x4000  }
0x11: {  	[sflag:s9] =	ssyncset.done $0x0  }
0x12: {  	s16 =	simm.s32 $0x0;
	s17 =	simm.s32 $0x800;
	[sflag:s9] =	ssyncadd.s32 $0xFFFFC000  }
.LBB2_3:
0x13: {  	p0 =	sne.s32 s17, $0xF800;
	[tilespmem:s16+$0x4000] =	vst v0;
	v1 =	vld [tilespmem:s16+$0xF0]  }
0x14: {  	v2 =	vld [tilespmem:s16+$0x0];
	[tilespmem:s16+$0x8080] =	vst v0  }
0x15: {  	v3 =	vld [tilespmem:s16+$0x80];
	[tilespmem:s16+$0xC100] =	vst v0  }
0x16: {  	v4 =	vld [tilespmem:s16+$0x100];
	[tilespmem:s16+$0x4010] =	vst v0  }
0x17: {  	v5 =	vld [tilespmem:s16+$0x10];
	[tilespmem:s16+$0x8090] =	vst v0  }
0x18: {  	v6 =	vld [tilespmem:s16+$0x90];
	[tilespmem:s16+$0x4170] =	vst v1;
	v1 =	vsub.f32 $0.0e+00, v1  }
0x19: {  	v7 =	vsub.f32 $0.0e+00, v2;
	[tilespmem:s16+$0xC080] =	vst v2;
	v2 =	vld [tilespmem:s16+$0x110]  }
0x1a: {  	v8 =	vsub.f32 $0.0e+00, v3;
	v9 =	vld [tilespmem:s16+$0x20];
	[tilespmem:s16+$0xC070] =	vst v1  }
0x1b: {  	v1 =	vsub.f32 $0.0e+00, v4;
	[tilespmem:s16+$0x8100] =	vst v7;
	v7 =	vld [tilespmem:s16+$0xA0]  }
0x1c: {  	[tilespmem:s16+$0xC000] =	vst v8;
	v8 =	vsub.f32 $0.0e+00, v5;
	v10 =	vld [tilespmem:s16+$0x120]  }
0x1d: {  	[tilespmem:s16+$0x4080] =	vst v1;
	v1 =	vsub.f32 $0.0e+00, v6;
	v11 =	vld [tilespmem:s16+$0x30]  }
0x1e: {  	v12 =	vsub.f32 $0.0e+00, v2;
	[tilespmem:s16+$0x8110] =	vst v8;
	v8 =	vld [tilespmem:s16+$0xB0]  }
0x1f: {  	[tilespmem:s16+$0xC010] =	vst v1;
	v1 =	vsub.f32 $0.0e+00, v9;
	v13 =	vld [tilespmem:s16+$0x130]  }
0x20: {  	[tilespmem:s16+$0x4090] =	vst v12;
	v12 =	vsub.f32 $0.0e+00, v7;
	v14 =	vld [tilespmem:s16+$0x40]  }
0x21: {  	v15 =	vsub.f32 $0.0e+00, v10;
	[tilespmem:s16+$0x8120] =	vst v1;
	v1 =	vld [tilespmem:s16+$0xC0]  }
0x22: {  	[tilespmem:s16+$0xC020] =	vst v12;
	v12 =	vsub.f32 $0.0e+00, v11;
	v16 =	vld [tilespmem:s16+$0x140]  }
0x23: {  	[tilespmem:s16+$0x40A0] =	vst v15;
	v15 =	vsub.f32 $0.0e+00, v8;
	v17 =	vld [tilespmem:s16+$0x50]  }
0x24: {  	v18 =	vsub.f32 $0.0e+00, v13;
	[tilespmem:s16+$0x8130] =	vst v12;
	v12 =	vld [tilespmem:s16+$0xD0]  }
0x25: {  	[tilespmem:s16+$0xC030] =	vst v15;
	v15 =	vsub.f32 $0.0e+00, v14;
	v19 =	vld [tilespmem:s16+$0x150]  }
0x26: {  	[tilespmem:s16+$0x40B0] =	vst v18;
	v18 =	vsub.f32 $0.0e+00, v1;
	v20 =	vld [tilespmem:s16+$0x60]  }
0x27: {  	v21 =	vsub.f32 $0.0e+00, v16;
	[tilespmem:s16+$0x8140] =	vst v15;
	v15 =	vld [tilespmem:s16+$0xE0]  }
0x28: {  	[tilespmem:s16+$0xC040] =	vst v18;
	v18 =	vsub.f32 $0.0e+00, v17;
	v22 =	vld [tilespmem:s16+$0x160]  }
0x29: {  	[tilespmem:s16+$0x40C0] =	vst v21;
	v21 =	vsub.f32 $0.0e+00, v12;
	v23 =	vld [tilespmem:s16+$0x70]  }
0x2a: {  	v24 =	vsub.f32 $0.0e+00, v19;
	[tilespmem:s16+$0x8150] =	vst v18;
	v18 =	vld [tilespmem:s16+$0x170]  }
0x2b: {  	[tilespmem:s16+$0xC050] =	vst v21;
	v21 =	vsub.f32 $0.0e+00, v20  }
0x2c: {  	[tilespmem:s16+$0x40D0] =	vst v24;
	v24 =	vsub.f32 $0.0e+00, v15  }
0x2d: {  	v25 =	vsub.f32 $0.0e+00, v22;
	[tilespmem:s16+$0x8160] =	vst v21  }
0x2e: {  	[tilespmem:s16+$0xC060] =	vst v24;
	v21 =	vsub.f32 $0.0e+00, v23  }
0x2f: {  	[tilespmem:s16+$0x40E0] =	vst v25;
	v24 =	vsub.f32 $0.0e+00, v18  }
0x30: {  	[tilespmem:s16+$0x8170] =	vst v21  }
0x31: {  	[tilespmem:s16+$0x40F0] =	vst v24  }
0x32: {  	[tilespmem:s16+$0x4100] =	vst v3  }
0x33: {  	[tilespmem:s16+$0x8000] =	vst v4  }
0x34: {  	[tilespmem:s16+$0x4110] =	vst v6  }
0x35: {  	[tilespmem:s16+$0x8010] =	vst v2  }
0x36: {  	[tilespmem:s16+$0xC090] =	vst v5  }
0x37: {  	[tilespmem:s16+$0x4120] =	vst v7  }
0x38: {  	[tilespmem:s16+$0x8020] =	vst v10  }
0x39: {  	[tilespmem:s16+$0xC0A0] =	vst v9  }
0x3a: {  	[tilespmem:s16+$0x4130] =	vst v8  }
0x3b: {  	[tilespmem:s16+$0x8030] =	vst v13  }
0x3c: {  	[tilespmem:s16+$0xC0B0] =	vst v11  }
0x3d: {  	[tilespmem:s16+$0x4140] =	vst v1  }
0x3e: {  	[tilespmem:s16+$0x8040] =	vst v16  }
0x3f: {  	[tilespmem:s16+$0xC0C0] =	vst v14  }
0x40: {  	[tilespmem:s16+$0x4150] =	vst v12  }
0x41: {  	[tilespmem:s16+$0x8050] =	vst v19  }
0x42: {  	[tilespmem:s16+$0xC0D0] =	vst v17  }
0x43: {  	[tilespmem:s16+$0x4160] =	vst v15  }
0x44: {  	[tilespmem:s16+$0x8060] =	vst v22  }
0x45: {  	[tilespmem:s16+$0xC0E0] =	vst v20  }
0x46: {  	[tilespmem:s16+$0x8070] =	vst v18  }
0x47: {  	[tilespmem:s16+$0xC0F0] =	vst v23  }
0x48: {  	[tilespmem:s16+$0xC110] =	vst v0  }
0x49: {  	[tilespmem:s16+$0x4020] =	vst v0  }
0x4a: {  	[tilespmem:s16+$0x80A0] =	vst v0  }
0x4b: {  	[tilespmem:s16+$0xC120] =	vst v0  }
0x4c: {  	[tilespmem:s16+$0x4030] =	vst v0  }
0x4d: {  	[tilespmem:s16+$0x80B0] =	vst v0  }
0x4e: {  	[tilespmem:s16+$0xC130] =	vst v0  }
0x4f: {  	[tilespmem:s16+$0x4040] =	vst v0  }
0x50: {  	[tilespmem:s16+$0x80C0] =	vst v0  }
0x51: {  	[tilespmem:s16+$0xC140] =	vst v0  }
0x52: {  	[tilespmem:s16+$0x4050] =	vst v0  }
0x53: {  	[tilespmem:s16+$0x80D0] =	vst v0  }
0x54: {  	[tilespmem:s16+$0xC150] =	vst v0  }
0x55: {  	[tilespmem:s16+$0x4060] =	vst v0  }
.Ltmp0:
0x56: {  	[tilespmem:s16+$0x80E0] =	vst v0;
	(pc) =	sbr.rel @p0 .LBB2_3-.Ltmp0, $4  }
0x57: {  	[tilespmem:s16+$0xC160] =	vst v0  }
0x58: {  	[tilespmem:s16+$0x4070] =	vst v0  }
0x59: {  	[tilespmem:s16+$0x80F0] =	vst v0  }
0x5a: {  	[tilespmem:s16+$0xC170] =	vst v0;
	s16 =	sshra.s32 s17, $0x2;
	s17 =	sadd.s32 $0x800, s17  }
0x5b: {  	[tilespmem:s16+$0x4000] =	vst v0  }
0x5c: {  	[tilespmem:s16+$0x8080] =	vst v0  }
0x5d: {  	[tilespmem:s16+$0xC100] =	vst v0  }
0x5e: {  	[tilespmem:s16+$0x4010] =	vst v0  }
0x5f: {  	[tilespmem:s16+$0x8090] =	vst v0  }
0x60: {  	[tilespmem:s16+$0xC110] =	vst v0  }
0x61: {  	[tilespmem:s16+$0x4020] =	vst v0  }
0x62: {  	[tilespmem:s16+$0x80A0] =	vst v0  }
0x63: {  	[tilespmem:s16+$0xC120] =	vst v0  }
0x64: {  	[tilespmem:s16+$0x4030] =	vst v0  }
0x65: {  	[tilespmem:s16+$0x80B0] =	vst v0  }
0x66: {  	[tilespmem:s16+$0xC130] =	vst v0  }
0x67: {  	[tilespmem:s16+$0x4040] =	vst v0  }
0x68: {  	[tilespmem:s16+$0x80C0] =	vst v0  }
0x69: {  	[tilespmem:s16+$0xC140] =	vst v0  }
0x6a: {  	[tilespmem:s16+$0x4050] =	vst v0  }
0x6b: {  	[tilespmem:s16+$0x80D0] =	vst v0  }
0x6c: {  	[tilespmem:s16+$0xC150] =	vst v0  }
0x6d: {  	[tilespmem:s16+$0x4060] =	vst v0  }
0x6e: {  	v1 =	vld [tilespmem:s16+$0xF0];
	[tilespmem:s16+$0x80E0] =	vst v0  }
0x6f: {  	v2 =	vld [tilespmem:s16+$0x0];
	[tilespmem:s16+$0xC160] =	vst v0  }
0x70: {  	v3 =	vld [tilespmem:s16+$0x80];
	[tilespmem:s16+$0x4070] =	vst v0  }
0x71: {  	v4 =	vld [tilespmem:s16+$0x100];
	[tilespmem:s16+$0x80F0] =	vst v0  }
0x72: {  	v6 =	vld [tilespmem:s16+$0x90];
	[tilespmem:s16+$0xC170] =	vst v0  }
0x73: {  	v7 =	vld [tilespmem:s16+$0x110];
	[tilespmem:s16+$0x4170] =	vst v1  }
0x74: {  	v5 =	vld [tilespmem:s16+$0x10];
	[tilespmem:s16+$0xC080] =	vst v2  }
0x75: {  	v8 =	vld [tilespmem:s16+$0x20];
	[tilespmem:s16+$0x4100] =	vst v3  }
0x76: {  	v47 =	vld [tilespmem:s16+$0xB0];
	[tilespmem:s16+$0x8000] =	vst v4  }
0x77: {  	v48 =	vld [tilespmem:s16+$0x130];
	[tilespmem:s16+$0x4110] =	vst v6  }
0x78: {  	v46 =	vld [tilespmem:s16+$0x30];
	[tilespmem:s16+$0x8010] =	vst v7  }
0x79: {  	v50 =	vld [tilespmem:s16+$0xC0];
	[tilespmem:s16+$0xC090] =	vst v5  }
0x7a: {  	v51 =	vld [tilespmem:s16+$0x140];
	[tilespmem:s16+$0xC0A0] =	vst v8  }
0x7b: {  	v49 =	vld [tilespmem:s16+$0x40];
	[tilespmem:s16+$0x4130] =	vst v47  }
0x7c: {  	v53 =	vld [tilespmem:s16+$0xD0];
	[tilespmem:s16+$0x8030] =	vst v48  }
0x7d: {  	v54 =	vld [tilespmem:s16+$0x150];
	[tilespmem:s16+$0xC0B0] =	vst v46  }
0x7e: {  	v52 =	vld [tilespmem:s16+$0x50];
	[tilespmem:s16+$0x4140] =	vst v50  }
0x7f: {  	v56 =	vld [tilespmem:s16+$0xE0];
	[tilespmem:s16+$0x8040] =	vst v51  }
0x80: {  	v57 =	vld [tilespmem:s16+$0x160];
	[tilespmem:s16+$0xC0C0] =	vst v49  }
0x81: {  	v55 =	vld [tilespmem:s16+$0x60];
	[tilespmem:s16+$0x4150] =	vst v53  }
0x82: {  	v24 =	vld [tilespmem:s16+$0x170];
	[tilespmem:s16+$0x8050] =	vst v54  }
0x83: {  	v58 =	vld [tilespmem:s16+$0x70];
	[tilespmem:s16+$0xC0D0] =	vst v52  }
0x84: {  	[tilespmem:s16+$0x4160] =	vst v56  }
0x85: {  	[tilespmem:s16+$0x8060] =	vst v57  }
0x86: {  	[tilespmem:s16+$0xC0E0] =	vst v55  }
0x87: {  	v1 =	vsub.f32 $0.0e+00, v1;
	[tilespmem:s16+$0x8070] =	vst v24  }
0x88: {  	v2 =	vsub.f32 $0.0e+00, v2;
	[tilespmem:s16+$0xC0F0] =	vst v58  }
0x89: {  	v9 =	vsub.f32 $0.0e+00, v4;
	[tilespmem:s16+$0xC070] =	vst v1  }
0x8a: {  	v10 =	vsub.f32 $0.0e+00, v5;
	[tilespmem:s16+$0x8100] =	vst v2  }
0x8b: {  	v11 =	vsub.f32 $0.0e+00, v6;
	[tilespmem:s16+$0x4080] =	vst v9  }
0x8c: {  	v12 =	vsub.f32 $0.0e+00, v7;
	[tilespmem:s16+$0x8110] =	vst v10  }
0x8d: {  	v13 =	vsub.f32 $0.0e+00, v8;
	[tilespmem:s16+$0xC010] =	vst v11  }
0x8e: {  	v16 =	vsub.f32 $0.0e+00, v46;
	[tilespmem:s16+$0x4090] =	vst v12  }
0x8f: {  	v17 =	vsub.f32 $0.0e+00, v47;
	[tilespmem:s16+$0x8120] =	vst v13  }
0x90: {  	v18 =	vsub.f32 $0.0e+00, v48;
	[tilespmem:s16+$0x8130] =	vst v16  }
0x91: {  	v19 =	vsub.f32 $0.0e+00, v49;
	[tilespmem:s16+$0xC030] =	vst v17  }
0x92: {  	v20 =	vsub.f32 $0.0e+00, v50;
	[tilespmem:s16+$0x40B0] =	vst v18  }
0x93: {  	v21 =	vsub.f32 $0.0e+00, v51;
	[tilespmem:s16+$0x8140] =	vst v19  }
0x94: {  	v22 =	vsub.f32 $0.0e+00, v52;
	[tilespmem:s16+$0xC040] =	vst v20  }
0x95: {  	v23 =	vsub.f32 $0.0e+00, v53;
	[tilespmem:s16+$0x40C0] =	vst v21  }
0x96: {  	v59 =	vsub.f32 $0.0e+00, v54;
	[tilespmem:s16+$0x8150] =	vst v22  }
0x97: {  	v60 =	vsub.f32 $0.0e+00, v55;
	[tilespmem:s16+$0xC050] =	vst v23  }
0x98: {  	v61 =	vsub.f32 $0.0e+00, v56;
	[tilespmem:s16+$0x40D0] =	vst v59  }
0x99: {  	v1 =	vsub.f32 $0.0e+00, v3;
	v2 =	vld [tilespmem:s16+$0xA0];
	[tilespmem:s16+$0x8160] =	vst v60  }
0x9a: {  	v25 =	vsub.f32 $0.0e+00, v57;
	[tilespmem:s16+$0xC060] =	vst v61  }
0x9b: {  	v62 =	vsub.f32 $0.0e+00, v58;
	[tilespmem:s16+$0xC000] =	vst v1;
	v1 =	vld [tilespmem:s16+$0x120]  }
0x9c: {  	v63 =	vsub.f32 $0.0e+00, v24;
	[tilespmem:s16+$0x40E0] =	vst v25  }
0x9d: {  	[tilespmem:s16+$0x8170] =	vst v62  }
0x9e: {  	[tilespmem:s16+$0x40F0] =	vst v63;
	v14 =	vsub.f32 $0.0e+00, v2  }
0x9f: {  	[tilespmem:s16+$0x4120] =	vst v2  }
0xa0: {  	v15 =	vsub.f32 $0.0e+00, v1;
	[tilespmem:s16+$0xC020] =	vst v14  }
0xa1: {  	[tilespmem:s16+$0x8020] =	vst v1  }
0xa2: {  	s29 =	sadd.s32 s4, s15;
	[tilespmem:s16+$0x40A0] =	vst v15  }
0xa3: {  	[hbm4b:s29+s2] =	stream.linear.scatter [tilespmem:s10], [sflag:$0x1], $0x4000, $0x38;
	[tilespmem:$0x10000] =	vst v63  }
0xa4: {  	_ =	swait.ge [sflag:s9], $0x4000  }
0xa5: {  	[sflag:s9] =	ssyncset.done $0x0  }
0xa6: {  	s30 =	sadd.s32 s15, s6;
	[sflag:s9] =	ssyncadd.s32 $0xFFFFC000  }
0xa7: {  	[hbm4b:s30+s2] =	stream.linear.scatter [tilespmem:s11], [sflag:$0x1], $0x4000, $0x38;
	[tilespmem:$0x10000] =	vst v63  }
0xa8: {  	s14 =	sadd.s32 $0x1, s14;
	_ =	swait.ge [sflag:s9], $0x4000  }
0xa9: {  	p0 =	sne.s32 s14, $0x8;
	[sflag:s9] =	ssyncset.done $0x0  }
.Ltmp1:
0xaa: {  	s31 =	sadd.s32 s15, s7;
	[sflag:s9] =	ssyncadd.s32 $0xFFFFC000;
	(pc) =	sbr.rel @p0 .LBB2_2-.Ltmp1, $4  }
0xab: {  	[hbm4b:s31+s2] =	stream.linear.scatter [tilespmem:s12], [sflag:$0x1], $0x4000, $0x38;
	[tilespmem:$0x10000] =	vst v63  }
0xac: {  	_ =	swait.ge [sflag:s9], $0x4000  }
0xad: {  	[sflag:s9] =	ssyncset.done $0x0  }
0xae: {  	[sflag:s9] =	ssyncadd.s32 $0xFFFFC000  }
0xaf: {  	s13 =	sadd.s32 $0x1, s13  }
0xb0: {  	p0 =	sne.s32 s13, s8  }
.Ltmp2:
0xb1: {  	_ = 	snop;
	(pc) =	sbr.rel @p0 .LBB2_1-.Ltmp2, $1  }
0xb2: {  	_ =	sdelay $0x3  }
0xb3: {  	_ =	sfence.sel $0x180000  }
0xb4: {  	[bflag:$0x0] =	sbarrier.arrive $0xFFFF  }
0xb5: {  	p0 =	sne.s32 s3, $0x0;
	_ =	strace $0x90000047  }
0xb6: {  	s0 =	sadd.s32 @!p0 $0x100000, s0;
	[bflag:$0x2] =	sbarrier.arrive $0xFFFF  }
0xb7: {  	[sflag:s0] =	ssyncadd.tile.s32 @!p0 $0x1;
	_ =	shalt  }
.Lfunc_end2:
_tile_overlayer_lowered:
.L_overlay_start_2:
0xb8: {  	(tag) =	ssettag $0x2  }
0xb9: {  	s0 =	rddreg [dreg:$0x0];
	s2 =	stileid.u32  }
0xba: {  	s1 =	rddreg [dreg:$0x1];
	p0 =	sne.s32 s2, $0x0  }
0xbb: {  	s3 =	rddreg [dreg:$0x2];
	[bflag:$0x3] =	sbarrier.arrive $0xFFFF;
	s2 =	simm.s32 @!p0 $0x1C01  }
0xbc: {  	[timem:s3], [sflag:s2] =	dma.local @!p0 [hbm:s0], s1  }
0xbd: {  	s0 =	simm.s32 @!p0 $0x1  }
0xbe: {  	_ =	swait.ge @!p0 [sflag:s0], s1  }
0xbf: {  	s1 =	ssub.s32 @!p0 $0x0, s1;
	[sflag:s0] =	ssyncset.done @!p0 $0x0  }
0xc0: {  	[sflag:s0] =	ssyncadd.s32 @!p0 s1  }
0xc1: {  	[bflag:$0x3] =	sbarrier.arrive $0xFFFF  }
0xc2: {  	_ =	shalt  }

</sc_bundles>
